<compile_context>
chip_gen: v7x
topology: tpu7x:2x2x1
jax: 0.10.2.dev20260603
libtpu: 0.0.44.dev20260713+nightly
codegen_flags: <defaults>
</compile_context>

<pallas_src>
import functools

import jax
import jax.numpy as jnp
from jax import lax
from jax.experimental import pallas as pl
from jax.experimental.pallas import tpu as pltpu
from jax.experimental.pallas import tpu_sc as plsc

E = 16
K = 4
H = 1024
FF = 1024
B = 16
ALPHA = 1.702
LIMIT = 7.0
EPS = 1e-5
FF2 = FF // 2
H2 = H // 2


def _prep_body(x_ref, ns_ref, gw_ref, gb_ref, t_ref, g_ref):
    xv = x_ref[...]
    t = xv * lax.rsqrt(jnp.mean(xv * xv, axis=-1, keepdims=True) + EPS)
    t = t * ns_ref[...]
    t_ref[...] = t
    g_ref[...] = jax.lax.dot_general(
        t, gw_ref[...], (((1,), (1,)), ((), ())),
        preferred_element_type=jnp.float32) + gb_ref[...]


def _make_router():
    mesh = plsc.VectorSubcoreMesh(core_axis_name="c", subcore_axis_name="s")

    @functools.partial(
        pl.kernel, mesh=mesh,
        out_type=jax.ShapeDtypeStruct((B, E), jnp.float32),
        scratch_types=[pltpu.VMEM((E,), jnp.float32),
                       pltpu.VMEM((E,), jnp.float32)],
    )
    def _route(g_hbm, w_hbm, g_v, w_v):
        cid = lax.axis_index("c")
        sid = lax.axis_index("s")
        wid = sid * 2 + cid

        lanes = lax.iota(jnp.int32, E)
        rots = [jnp.bitwise_and(lanes + sh, E - 1) for sh in (8, 4, 2, 1)]

        gdn = lax.GatherDimensionNumbers(offset_dims=(),
                                         collapsed_slice_dims=(0,),
                                         start_index_map=(0,))

        def permute(v, idx):
            return lax.gather(v, idx[:, None], gdn, slice_sizes=(1,),
                              mode=lax.GatherScatterMode.PROMISE_IN_BOUNDS)

        def allred(v, op):
            for idx in rots:
                v = op(v, permute(v, idx))
            return v

        @pl.when(wid < B)
        def _():
            pltpu.sync_copy(g_hbm.at[wid], g_v)
            g = g_v[...]
            g_work = g
            for _k in range(K):
                m = allred(g_work, jnp.maximum)
                first = allred(jnp.where(g_work == m, lanes, E), jnp.minimum)
                g_work = jnp.where(lanes == first, -1e30, g_work)
            vals = jnp.where(g_work < -1e29, g, -1e30)
            mx = allred(vals, jnp.maximum)
            ex = jnp.exp(vals - mx)
            w_v[...] = ex / allred(ex, jnp.add)
            pltpu.sync_copy(w_v, w_hbm.at[wid])

    return _route


_router = _make_router()


def _moe_body(x_ref, t_ref, w_ref, m1a_ref, m1b_ref, b1g_ref, b1l_ref,
              m2a_ref, m2b_ref, b2_ref, out_ref):
    e = pl.program_id(0)

    @pl.when(e == 0)
    def _init():
        out_ref[...] = x_ref[...]

    t = t_ref[...].astype(jnp.bfloat16)

    def half(m1_ref):
        m1 = m1_ref[0].astype(jnp.bfloat16)
        hg = jax.lax.dot_general(t, m1[:, :H], (((1,), (1,)), ((), ())),
                                 preferred_element_type=jnp.float32)
        hl = jax.lax.dot_general(t, m1[:, H:], (((1,), (1,)), ((), ())),
                                 preferred_element_type=jnp.float32)
        return hg, hl

    hga, hla = half(m1a_ref)
    hgb, hlb = half(m1b_ref)
    hg = jnp.concatenate([hga, hgb], axis=1) + b1g_ref[0]
    hl = jnp.concatenate([hla, hlb], axis=1) + b1l_ref[0]
    hg = jnp.minimum(hg, LIMIT)
    hl = jnp.clip(hl, -LIMIT, LIMIT)
    t2 = (hg * jax.nn.sigmoid(ALPHA * hg) * (hl + 1.0)).astype(jnp.bfloat16)
    t3a = jax.lax.dot_general(t2, m2a_ref[0].astype(jnp.bfloat16),
                              (((1,), (1,)), ((), ())),
                              preferred_element_type=jnp.float32)
    t3b = jax.lax.dot_general(t2, m2b_ref[0].astype(jnp.bfloat16),
                              (((1,), (1,)), ((), ())),
                              preferred_element_type=jnp.float32)
    t3 = jnp.concatenate([t3a, t3b], axis=1) + b2_ref[0]
    lane = jax.lax.broadcasted_iota(jnp.int32, (B, E), 1)
    w_e = jnp.sum(jnp.where(lane == e, w_ref[...], 0.0), axis=1,
                  keepdims=True)
    out_ref[...] += t3 * w_e


def kernel(x, norm_scale, gate_w, gate_b, mlp1_w, mlp1_b, mlp2_w, mlp2_b):
    ns = norm_scale.reshape(1, H)
    gb = gate_b.reshape(1, E)
    t, g = pl.pallas_call(
        _prep_body,
        in_specs=[pl.BlockSpec((B, H), lambda: (0, 0)),
                  pl.BlockSpec((1, H), lambda: (0, 0)),
                  pl.BlockSpec((E, H), lambda: (0, 0)),
                  pl.BlockSpec((1, E), lambda: (0, 0))],
        out_specs=[pl.BlockSpec((B, H), lambda: (0, 0)),
                   pl.BlockSpec((B, E), lambda: (0, 0))],
        out_shape=[jax.ShapeDtypeStruct((B, H), jnp.float32),
                   jax.ShapeDtypeStruct((B, E), jnp.float32)],
    )(x, ns, gate_w, gb)

    w = _router(g)

    m1r = mlp1_w.reshape(E, FF, 2 * H)
    b1 = mlp1_b.reshape(E, 1, FF, 2)
    b1g = b1[..., 0]
    b1l = b1[..., 1]
    b2 = mlp2_b.reshape(E, 1, H)
    out = pl.pallas_call(
        _moe_body,
        grid=(E,),
        in_specs=[
            pl.BlockSpec((B, H), lambda e: (0, 0)),
            pl.BlockSpec((B, H), lambda e: (0, 0)),
            pl.BlockSpec((B, E), lambda e: (0, 0)),
            pl.BlockSpec((1, FF2, 2 * H), lambda e: (e, 0, 0)),
            pl.BlockSpec((1, FF2, 2 * H), lambda e: (e, 1, 0)),
            pl.BlockSpec((1, 1, FF), lambda e: (e, 0, 0)),
            pl.BlockSpec((1, 1, FF), lambda e: (e, 0, 0)),
            pl.BlockSpec((1, H2, FF), lambda e: (e, 0, 0)),
            pl.BlockSpec((1, H2, FF), lambda e: (e, 1, 0)),
            pl.BlockSpec((1, 1, H), lambda e: (e, 0, 0)),
        ],
        out_specs=pl.BlockSpec((B, H), lambda e: (0, 0)),
        out_shape=jax.ShapeDtypeStruct((B, H), jnp.float32),
        compiler_params=pltpu.CompilerParams(
            dimension_semantics=("arbitrary",)),
    )(x, t, w, m1r, m1r, b1g, b1l, mlp2_w, mlp2_w, b2)
    return out

# --- scband reference (transcript-rebuilt; emitter-appended) ---
"""Pipeline reference for scband-gptossmoe-block-27547920237065 (READ-ONLY COPY).

The authoritative reference and input builder live on the scoring server;
editing this copy changes nothing except your own understanding.
"""

import jax, jax.numpy as jnp
import numpy as np

E = 16
K = 4
H = 1024
FF = 1024
B = 16
ALPHA = 1.702
LIMIT = 7.0
EPS = 1e-5


def setup_inputs(seed: int = 0) -> dict:
    key = jax.random.key(seed)
    ks = jax.random.split(key, 8)
    x = jax.random.normal(ks[0], (B, H), dtype=jnp.float32)
    norm_scale = jnp.ones((H,), dtype=jnp.float32)
    gate_w = jax.random.normal(ks[1], (E, H), dtype=jnp.float32) * 0.02
    gate_b = jax.random.normal(ks[2], (E,), dtype=jnp.float32) * 0.02
    mlp1_w = jax.random.normal(ks[3], (E, 2 * FF, H), dtype=jnp.float32) * 0.02
    mlp1_b = jax.random.normal(ks[4], (E, 2 * FF), dtype=jnp.float32) * 0.02
    mlp2_w = jax.random.normal(ks[5], (E, H, FF), dtype=jnp.float32) * 0.02
    mlp2_b = jax.random.normal(ks[6], (E, H), dtype=jnp.float32) * 0.02
    return {"x": x, "norm_scale": norm_scale, "gate_w": gate_w, "gate_b": gate_b,
            "mlp1_w": mlp1_w, "mlp1_b": mlp1_b, "mlp2_w": mlp2_w, "mlp2_b": mlp2_b}


def reference(x, norm_scale, gate_w, gate_b, mlp1_w, mlp1_b, mlp2_w, mlp2_b):
    # RMSNorm
    t = x * jax.lax.rsqrt(jnp.mean(x * x, axis=-1, keepdims=True) + EPS)
    t = t * norm_scale
    # gate (torch Linear: y = t @ W.T + b)
    g = t @ gate_w.T + gate_b
    vals, idx = jax.lax.top_k(g, K)
    expert_weights = jax.nn.softmax(vals, axis=1)
    # gather per-token expert weights
    m1w = jnp.take(mlp1_w, idx, axis=0)  # [B, K, 2FF, H]
    m1b = jnp.take(mlp1_b, idx, axis=0)  # [B, K, 2FF]
    t2 = jnp.einsum('beck,bk->bec', m1w, t) + m1b
    # swiglu with clamp
    x_glu = t2[..., ::2]
    x_lin = t2[..., 1::2]
    x_glu = jnp.minimum(x_glu, LIMIT)
    x_lin = jnp.clip(x_lin, -LIMIT, LIMIT)
    t2 = x_glu * jax.nn.sigmoid(ALPHA * x_glu) * (x_lin + 1.0)
    m2w = jnp.take(mlp2_w, idx, axis=0)  # [B, K, H, FF]
    m2b = jnp.take(mlp2_b, idx, axis=0)  # [B, K, H]
    t3 = jnp.einsum('beck,bek->bec', m2w, t2) + m2b
    moe_out = jnp.einsum('bec,be->bc', t3, expert_weights)
    return x + moe_out

if __name__ == "__main__":
    import jax
    _d = setup_inputs()
    print(jax.jit(kernel)(*tuple(_d.values())))

</pallas_src>

<mosaic_0001>
#map = affine_map<(d0, d1) -> (0, 0)>
module attributes {stable_mosaic.version = 14 : i64} {
  func.func @_route(%arg0: i32, %arg1: i32, %arg2: memref<16x16xf32, #tpu.memory_space<hbm>>, %arg3: memref<16x16xf32, #tpu.memory_space<hbm>>, %arg4: memref<16xf32, #tpu.memory_space<vmem>>, %arg5: memref<16xf32, #tpu.memory_space<vmem>>) attributes {dimension_semantics = [#tpu.dimension_semantics<core_parallel>, #tpu.dimension_semantics<subcore_parallel>], iteration_bounds = array<i64: 2, 16>, scalar_prefetch = 0 : i64, scratch_operands = 2 : i64, tpu.core_type = #tpu.core_type<sc_vector_subcore>, window_params = [{transform_indices = #map}, {transform_indices = #map}]} {
    %mul3A = arith.constant 2 : i32
    %mul3A_0 = arith.muli %arg1, %mul3A : i32
    %add3A = arith.addi %mul3A_0, %arg0 : i32
    %iota3A = tpu.iota {dimensions = array<i32: 0>} : vector<16xi32>
    %add3A_1 = arith.constant 8 : i32
    %add3A_2 = vector.broadcast %add3A_1 : i32 to vector<16xi32>
    %add3A_3 = arith.addi %iota3A, %add3A_2 : vector<16xi32>
    %and3A = arith.constant 15 : i32
    %and3A_4 = vector.broadcast %and3A : i32 to vector<16xi32>
    %and3A_5 = arith.andi %add3A_3, %and3A_4 : vector<16xi32>
    %add3A_6 = arith.constant 4 : i32
    %add3A_7 = vector.broadcast %add3A_6 : i32 to vector<16xi32>
    %add3A_8 = arith.addi %iota3A, %add3A_7 : vector<16xi32>
    %and3A_9 = arith.constant 15 : i32
    %and3A_10 = vector.broadcast %and3A_9 : i32 to vector<16xi32>
    %and3A_11 = arith.andi %add3A_8, %and3A_10 : vector<16xi32>
    %add3A_12 = arith.constant 2 : i32
    %add3A_13 = vector.broadcast %add3A_12 : i32 to vector<16xi32>
    %add3A_14 = arith.addi %iota3A, %add3A_13 : vector<16xi32>
    %and3A_15 = arith.constant 15 : i32
    %and3A_16 = vector.broadcast %and3A_15 : i32 to vector<16xi32>
    %and3A_17 = arith.andi %add3A_14, %and3A_16 : vector<16xi32>
    %add3A_18 = arith.constant 1 : i32
    %add3A_19 = vector.broadcast %add3A_18 : i32 to vector<16xi32>
    %add3A_20 = arith.addi %iota3A, %add3A_19 : vector<16xi32>
    %and3A_21 = arith.constant 15 : i32
    %and3A_22 = vector.broadcast %and3A_21 : i32 to vector<16xi32>
    %and3A_23 = arith.andi %add3A_20, %and3A_22 : vector<16xi32>
    %lt3A = arith.constant 16 : i32
    %lt3A_24 = arith.cmpi slt, %add3A, %lt3A : i32
    %convert_element_type3A = arith.extui %lt3A_24 : i1 to i32
    %cond3A = arith.constant 0 : i32
    %cond3A_25 = arith.cmpi ne, %convert_element_type3A, %cond3A : i32
    scf.if %cond3A_25 {
      "tpu.region"() ({
        %run_scoped3A = tpu.sem_alloc : memref<!tpu.dma_semaphore, #tpu.memory_space<semaphore_mem>>
        %dma_start3A = arith.constant 0 : i32
        %dma_start3A_222 = tpu.memref_slice %arg2[%add3A, %dma_start3A] : memref<16x16xf32, #tpu.memory_space<hbm>> -> memref<1x16xf32, #tpu.memory_space<hbm>>
        %dma_start3A_223 = tpu.memref_squeeze %dma_start3A_222 : memref<1x16xf32, #tpu.memory_space<hbm>> -> memref<16xf32, #tpu.memory_space<hbm>>
        %dma_start3A_224 = arith.constant 0 : i32
        %dma_start3A_225 = tpu.memref_slice %arg2[%add3A, %dma_start3A_224] : memref<16x16xf32, #tpu.memory_space<hbm>> -> memref<1x16xf32, #tpu.memory_space<hbm>>
        %dma_start3A_226 = tpu.memref_squeeze %dma_start3A_225 : memref<1x16xf32, #tpu.memory_space<hbm>> -> memref<16xf32, #tpu.memory_space<hbm>>
        tpu.enqueue_dma source(%dma_start3A_226 : memref<16xf32, #tpu.memory_space<hbm>>) target(%arg4 : memref<16xf32, #tpu.memory_space<vmem>>) target_semaphore(%run_scoped3A : memref<!tpu.dma_semaphore, #tpu.memory_space<semaphore_mem>>)
        %dma_wait3A = arith.constant 0 : i32
        %dma_wait3A_227 = tpu.memref_slice %arg2[%add3A, %dma_wait3A] : memref<16x16xf32, #tpu.memory_space<hbm>> -> memref<1x16xf32, #tpu.memory_space<hbm>>
        %dma_wait3A_228 = tpu.memref_squeeze %dma_wait3A_227 : memref<1x16xf32, #tpu.memory_space<hbm>> -> memref<16xf32, #tpu.memory_space<hbm>>
        %dma_wait3A_229 = arith.constant 0 : i32
        %dma_wait3A_230 = tpu.memref_slice %arg2[%add3A, %dma_wait3A_229] : memref<16x16xf32, #tpu.memory_space<hbm>> -> memref<1x16xf32, #tpu.memory_space<hbm>>
        %dma_wait3A_231 = tpu.memref_squeeze %dma_wait3A_230 : memref<1x16xf32, #tpu.memory_space<hbm>> -> memref<16xf32, #tpu.memory_space<hbm>>
        tpu.wait_dma2 semaphore(%run_scoped3A : memref<!tpu.dma_semaphore, #tpu.memory_space<semaphore_mem>>) src(%dma_wait3A_231 : memref<16xf32, #tpu.memory_space<hbm>>) dst(%arg4 : memref<16xf32, #tpu.memory_space<vmem>>)
        tpu.yield
      }) : () -> ()
      %get3A = arith.constant 0 : index
      %get3A_26 = tpu.vector_load %arg4[%get3A] {strides = array<i32>} : memref<16xf32, #tpu.memory_space<vmem>>, vector<16xf32>,
      %get3A_27 = vector.shape_cast %get3A_26 : vector<16xf32> to vector<16xf32>
      %broadcast_in_dim3A = vector.shape_cast %and3A_5 : vector<16xi32> to vector<16x1xi32>
      %gather3A = vector.shape_cast %broadcast_in_dim3A : vector<16x1xi32> to vector<16xi32>
      %gather3A_28 = tpu.dynamic_gather %get3A_27[%gather3A] in [0] : vector<16xf32>, vector<16xi32> -> vector<16xf32>
      %max3A = arith.maximumf %get3A_27, %gather3A_28 : vector<16xf32>
      %broadcast_in_dim3A_29 = vector.shape_cast %and3A_11 : vector<16xi32> to vector<16x1xi32>
      %gather3A_30 = vector.shape_cast %broadcast_in_dim3A_29 : vector<16x1xi32> to vector<16xi32>
      %gather3A_31 = tpu.dynamic_gather %max3A[%gather3A_30] in [0] : vector<16xf32>, vector<16xi32> -> vector<16xf32>
      %max3A_32 = arith.maximumf %max3A, %gather3A_31 : vector<16xf32>
      %broadcast_in_dim3A_33 = vector.shape_cast %and3A_17 : vector<16xi32> to vector<16x1xi32>
      %gather3A_34 = vector.shape_cast %broadcast_in_dim3A_33 : vector<16x1xi32> to vector<16xi32>
      %gather3A_35 = tpu.dynamic_gather %max3A_32[%gather3A_34] in [0] : vector<16xf32>, vector<16xi32> -> vector<16xf32>
      %max3A_36 = arith.maximumf %max3A_32, %gather3A_35 : vector<16xf32>
      %broadcast_in_dim3A_37 = vector.shape_cast %and3A_23 : vector<16xi32> to vector<16x1xi32>
      %gather3A_38 = vector.shape_cast %broadcast_in_dim3A_37 : vector<16x1xi32> to vector<16xi32>
      %gather3A_39 = tpu.dynamic_gather %max3A_36[%gather3A_38] in [0] : vector<16xf32>, vector<16xi32> -> vector<16xf32>
      %max3A_40 = arith.maximumf %max3A_36, %gather3A_39 : vector<16xf32>
      %eq3A = arith.cmpf oeq, %get3A_27, %max3A_40 : vector<16xf32>
      %jit3A = arith.constant 16 : i32
      %broadcast_in_dim3A_41 = vector.broadcast %jit3A : i32 to vector<16xi32>
      %select_n3A = arith.select %eq3A, %iota3A, %broadcast_in_dim3A_41 : vector<16xi1>, vector<16xi32>
      %broadcast_in_dim3A_42 = vector.shape_cast %and3A_5 : vector<16xi32> to vector<16x1xi32>
      %gather3A_43 = vector.shape_cast %broadcast_in_dim3A_42 : vector<16x1xi32> to vector<16xi32>
      %gather3A_44 = tpu.dynamic_gather %select_n3A[%gather3A_43] in [0] : vector<16xi32>, vector<16xi32> -> vector<16xi32>
      %min3A = arith.minsi %select_n3A, %gather3A_44 : vector<16xi32>
      %broadcast_in_dim3A_45 = vector.shape_cast %and3A_11 : vector<16xi32> to vector<16x1xi32>
      %gather3A_46 = vector.shape_cast %broadcast_in_dim3A_45 : vector<16x1xi32> to vector<16xi32>
      %gather3A_47 = tpu.dynamic_gather %min3A[%gather3A_46] in [0] : vector<16xi32>, vector<16xi32> -> vector<16xi32>
      %min3A_48 = arith.minsi %min3A, %gather3A_47 : vector<16xi32>
      %broadcast_in_dim3A_49 = vector.shape_cast %and3A_17 : vector<16xi32> to vector<16x1xi32>
      %gather3A_50 = vector.shape_cast %broadcast_in_dim3A_49 : vector<16x1xi32> to vector<16xi32>
      %gather3A_51 = tpu.dynamic_gather %min3A_48[%gather3A_50] in [0] : vector<16xi32>, vector<16xi32> -> vector<16xi32>
      %min3A_52 = arith.minsi %min3A_48, %gather3A_51 : vector<16xi32>
      %broadcast_in_dim3A_53 = vector.shape_cast %and3A_23 : vector<16xi32> to vector<16x1xi32>
      %gather3A_54 = vector.shape_cast %broadcast_in_dim3A_53 : vector<16x1xi32> to vector<16xi32>
      %gather3A_55 = tpu.dynamic_gather %min3A_52[%gather3A_54] in [0] : vector<16xi32>, vector<16xi32> -> vector<16xi32>
      %min3A_56 = arith.minsi %min3A_52, %gather3A_55 : vector<16xi32>
      %eq3A_57 = arith.cmpi eq, %iota3A, %min3A_56 : vector<16xi32>
      %jit3A_58 = arith.constant -1.000000e+30 : f32
      %broadcast_in_dim3A_59 = vector.broadcast %jit3A_58 : f32 to vector<16xf32>
      %select_n3A_60 = arith.select %eq3A_57, %broadcast_in_dim3A_59, %get3A_27 : vector<16xi1>, vector<16xf32>
      %broadcast_in_dim3A_61 = vector.shape_cast %and3A_5 : vector<16xi32> to vector<16x1xi32>
      %gather3A_62 = vector.shape_cast %broadcast_in_dim3A_61 : vector<16x1xi32> to vector<16xi32>
      %gather3A_63 = tpu.dynamic_gather %select_n3A_60[%gather3A_62] in [0] : vector<16xf32>, vector<16xi32> -> vector<16xf32>
      %max3A_64 = arith.maximumf %select_n3A_60, %gather3A_63 : vector<16xf32>
      %broadcast_in_dim3A_65 = vector.shape_cast %and3A_11 : vector<16xi32> to vector<16x1xi32>
      %gather3A_66 = vector.shape_cast %broadcast_in_dim3A_65 : vector<16x1xi32> to vector<16xi32>
      %gather3A_67 = tpu.dynamic_gather %max3A_64[%gather3A_66] in [0] : vector<16xf32>, vector<16xi32> -> vector<16xf32>
      %max3A_68 = arith.maximumf %max3A_64, %gather3A_67 : vector<16xf32>
      %broadcast_in_dim3A_69 = vector.shape_cast %and3A_17 : vector<16xi32> to vector<16x1xi32>
      %gather3A_70 = vector.shape_cast %broadcast_in_dim3A_69 : vector<16x1xi32> to vector<16xi32>
      %gather3A_71 = tpu.dynamic_gather %max3A_68[%gather3A_70] in [0] : vector<16xf32>, vector<16xi32> -> vector<16xf32>
      %max3A_72 = arith.maximumf %max3A_68, %gather3A_71 : vector<16xf32>
      %broadcast_in_dim3A_73 = vector.shape_cast %and3A_23 : vector<16xi32> to vector<16x1xi32>
      %gather3A_74 = vector.shape_cast %broadcast_in_dim3A_73 : vector<16x1xi32> to vector<16xi32>
      %gather3A_75 = tpu.dynamic_gather %max3A_72[%gather3A_74] in [0] : vector<16xf32>, vector<16xi32> -> vector<16xf32>
      %max3A_76 = arith.maximumf %max3A_72, %gather3A_75 : vector<16xf32>
      %eq3A_77 = arith.cmpf oeq, %select_n3A_60, %max3A_76 : vector<16xf32>
      %jit3A_78 = arith.constant 16 : i32
      %broadcast_in_dim3A_79 = vector.broadcast %jit3A_78 : i32 to vector<16xi32>
      %select_n3A_80 = arith.select %eq3A_77, %iota3A, %broadcast_in_dim3A_79 : vector<16xi1>, vector<16xi32>
      %broadcast_in_dim3A_81 = vector.shape_cast %and3A_5 : vector<16xi32> to vector<16x1xi32>
      %gather3A_82 = vector.shape_cast %broadcast_in_dim3A_81 : vector<16x1xi32> to vector<16xi32>
      %gather3A_83 = tpu.dynamic_gather %select_n3A_80[%gather3A_82] in [0] : vector<16xi32>, vector<16xi32> -> vector<16xi32>
      %min3A_84 = arith.minsi %select_n3A_80, %gather3A_83 : vector<16xi32>
      %broadcast_in_dim3A_85 = vector.shape_cast %and3A_11 : vector<16xi32> to vector<16x1xi32>
      %gather3A_86 = vector.shape_cast %broadcast_in_dim3A_85 : vector<16x1xi32> to vector<16xi32>
      %gather3A_87 = tpu.dynamic_gather %min3A_84[%gather3A_86] in [0] : vector<16xi32>, vector<16xi32> -> vector<16xi32>
      %min3A_88 = arith.minsi %min3A_84, %gather3A_87 : vector<16xi32>
      %broadcast_in_dim3A_89 = vector.shape_cast %and3A_17 : vector<16xi32> to vector<16x1xi32>
      %gather3A_90 = vector.shape_cast %broadcast_in_dim3A_89 : vector<16x1xi32> to vector<16xi32>
      %gather3A_91 = tpu.dynamic_gather %min3A_88[%gather3A_90] in [0] : vector<16xi32>, vector<16xi32> -> vector<16xi32>
      %min3A_92 = arith.minsi %min3A_88, %gather3A_91 : vector<16xi32>
      %broadcast_in_dim3A_93 = vector.shape_cast %and3A_23 : vector<16xi32> to vector<16x1xi32>
      %gather3A_94 = vector.shape_cast %broadcast_in_dim3A_93 : vector<16x1xi32> to vector<16xi32>
      %gather3A_95 = tpu.dynamic_gather %min3A_92[%gather3A_94] in [0] : vector<16xi32>, vector<16xi32> -> vector<16xi32>
      %min3A_96 = arith.minsi %min3A_92, %gather3A_95 : vector<16xi32>
      %eq3A_97 = arith.cmpi eq, %iota3A, %min3A_96 : vector<16xi32>
      %jit3A_98 = arith.constant -1.000000e+30 : f32
      %broadcast_in_dim3A_99 = vector.broadcast %jit3A_98 : f32 to vector<16xf32>
      %select_n3A_100 = arith.select %eq3A_97, %broadcast_in_dim3A_99, %select_n3A_60 : vector<16xi1>, vector<16xf32>
      %broadcast_in_dim3A_101 = vector.shape_cast %and3A_5 : vector<16xi32> to vector<16x1xi32>
      %gather3A_102 = vector.shape_cast %broadcast_in_dim3A_101 : vector<16x1xi32> to vector<16xi32>
      %gather3A_103 = tpu.dynamic_gather %select_n3A_100[%gather3A_102] in [0] : vector<16xf32>, vector<16xi32> -> vector<16xf32>
      %max3A_104 = arith.maximumf %select_n3A_100, %gather3A_103 : vector<16xf32>
      %broadcast_in_dim3A_105 = vector.shape_cast %and3A_11 : vector<16xi32> to vector<16x1xi32>
      %gather3A_106 = vector.shape_cast %broadcast_in_dim3A_105 : vector<16x1xi32> to vector<16xi32>
      %gather3A_107 = tpu.dynamic_gather %max3A_104[%gather3A_106] in [0] : vector<16xf32>, vector<16xi32> -> vector<16xf32>
      %max3A_108 = arith.maximumf %max3A_104, %gather3A_107 : vector<16xf32>
      %broadcast_in_dim3A_109 = vector.shape_cast %and3A_17 : vector<16xi32> to vector<16x1xi32>
      %gather3A_110 = vector.shape_cast %broadcast_in_dim3A_109 : vector<16x1xi32> to vector<16xi32>
      %gather3A_111 = tpu.dynamic_gather %max3A_108[%gather3A_110] in [0] : vector<16xf32>, vector<16xi32> -> vector<16xf32>
      %max3A_112 = arith.maximumf %max3A_108, %gather3A_111 : vector<16xf32>
      %broadcast_in_dim3A_113 = vector.shape_cast %and3A_23 : vector<16xi32> to vector<16x1xi32>
      %gather3A_114 = vector.shape_cast %broadcast_in_dim3A_113 : vector<16x1xi32> to vector<16xi32>
      %gather3A_115 = tpu.dynamic_gather %max3A_112[%gather3A_114] in [0] : vector<16xf32>, vector<16xi32> -> vector<16xf32>
      %max3A_116 = arith.maximumf %max3A_112, %gather3A_115 : vector<16xf32>
      %eq3A_117 = arith.cmpf oeq, %select_n3A_100, %max3A_116 : vector<16xf32>
      %jit3A_118 = arith.constant 16 : i32
      %broadcast_in_dim3A_119 = vector.broadcast %jit3A_118 : i32 to vector<16xi32>
      %select_n3A_120 = arith.select %eq3A_117, %iota3A, %broadcast_in_dim3A_119 : vector<16xi1>, vector<16xi32>
      %broadcast_in_dim3A_121 = vector.shape_cast %and3A_5 : vector<16xi32> to vector<16x1xi32>
      %gather3A_122 = vector.shape_cast %broadcast_in_dim3A_121 : vector<16x1xi32> to vector<16xi32>
      %gather3A_123 = tpu.dynamic_gather %select_n3A_120[%gather3A_122] in [0] : vector<16xi32>, vector<16xi32> -> vector<16xi32>
      %min3A_124 = arith.minsi %select_n3A_120, %gather3A_123 : vector<16xi32>
      %broadcast_in_dim3A_125 = vector.shape_cast %and3A_11 : vector<16xi32> to vector<16x1xi32>
      %gather3A_126 = vector.shape_cast %broadcast_in_dim3A_125 : vector<16x1xi32> to vector<16xi32>
      %gather3A_127 = tpu.dynamic_gather %min3A_124[%gather3A_126] in [0] : vector<16xi32>, vector<16xi32> -> vector<16xi32>
      %min3A_128 = arith.minsi %min3A_124, %gather3A_127 : vector<16xi32>
      %broadcast_in_dim3A_129 = vector.shape_cast %and3A_17 : vector<16xi32> to vector<16x1xi32>
      %gather3A_130 = vector.shape_cast %broadcast_in_dim3A_129 : vector<16x1xi32> to vector<16xi32>
      %gather3A_131 = tpu.dynamic_gather %min3A_128[%gather3A_130] in [0] : vector<16xi32>, vector<16xi32> -> vector<16xi32>
      %min3A_132 = arith.minsi %min3A_128, %gather3A_131 : vector<16xi32>
      %broadcast_in_dim3A_133 = vector.shape_cast %and3A_23 : vector<16xi32> to vector<16x1xi32>
      %gather3A_134 = vector.shape_cast %broadcast_in_dim3A_133 : vector<16x1xi32> to vector<16xi32>
      %gather3A_135 = tpu.dynamic_gather %min3A_132[%gather3A_134] in [0] : vector<16xi32>, vector<16xi32> -> vector<16xi32>
      %min3A_136 = arith.minsi %min3A_132, %gather3A_135 : vector<16xi32>
      %eq3A_137 = arith.cmpi eq, %iota3A, %min3A_136 : vector<16xi32>
      %jit3A_138 = arith.constant -1.000000e+30 : f32
      %broadcast_in_dim3A_139 = vector.broadcast %jit3A_138 : f32 to vector<16xf32>
      %select_n3A_140 = arith.select %eq3A_137, %broadcast_in_dim3A_139, %select_n3A_100 : vector<16xi1>, vector<16xf32>
      %broadcast_in_dim3A_141 = vector.shape_cast %and3A_5 : vector<16xi32> to vector<16x1xi32>
      %gather3A_142 = vector.shape_cast %broadcast_in_dim3A_141 : vector<16x1xi32> to vector<16xi32>
      %gather3A_143 = tpu.dynamic_gather %select_n3A_140[%gather3A_142] in [0] : vector<16xf32>, vector<16xi32> -> vector<16xf32>
      %max3A_144 = arith.maximumf %select_n3A_140, %gather3A_143 : vector<16xf32>
      %broadcast_in_dim3A_145 = vector.shape_cast %and3A_11 : vector<16xi32> to vector<16x1xi32>
      %gather3A_146 = vector.shape_cast %broadcast_in_dim3A_145 : vector<16x1xi32> to vector<16xi32>
      %gather3A_147 = tpu.dynamic_gather %max3A_144[%gather3A_146] in [0] : vector<16xf32>, vector<16xi32> -> vector<16xf32>
      %max3A_148 = arith.maximumf %max3A_144, %gather3A_147 : vector<16xf32>
      %broadcast_in_dim3A_149 = vector.shape_cast %and3A_17 : vector<16xi32> to vector<16x1xi32>
      %gather3A_150 = vector.shape_cast %broadcast_in_dim3A_149 : vector<16x1xi32> to vector<16xi32>
      %gather3A_151 = tpu.dynamic_gather %max3A_148[%gather3A_150] in [0] : vector<16xf32>, vector<16xi32> -> vector<16xf32>
      %max3A_152 = arith.maximumf %max3A_148, %gather3A_151 : vector<16xf32>
      %broadcast_in_dim3A_153 = vector.shape_cast %and3A_23 : vector<16xi32> to vector<16x1xi32>
      %gather3A_154 = vector.shape_cast %broadcast_in_dim3A_153 : vector<16x1xi32> to vector<16xi32>
      %gather3A_155 = tpu.dynamic_gather %max3A_152[%gather3A_154] in [0] : vector<16xf32>, vector<16xi32> -> vector<16xf32>
      %max3A_156 = arith.maximumf %max3A_152, %gather3A_155 : vector<16xf32>
      %eq3A_157 = arith.cmpf oeq, %select_n3A_140, %max3A_156 : vector<16xf32>
      %jit3A_158 = arith.constant 16 : i32
      %broadcast_in_dim3A_159 = vector.broadcast %jit3A_158 : i32 to vector<16xi32>
      %select_n3A_160 = arith.select %eq3A_157, %iota3A, %broadcast_in_dim3A_159 : vector<16xi1>, vector<16xi32>
      %broadcast_in_dim3A_161 = vector.shape_cast %and3A_5 : vector<16xi32> to vector<16x1xi32>
      %gather3A_162 = vector.shape_cast %broadcast_in_dim3A_161 : vector<16x1xi32> to vector<16xi32>
      %gather3A_163 = tpu.dynamic_gather %select_n3A_160[%gather3A_162] in [0] : vector<16xi32>, vector<16xi32> -> vector<16xi32>
      %min3A_164 = arith.minsi %select_n3A_160, %gather3A_163 : vector<16xi32>
      %broadcast_in_dim3A_165 = vector.shape_cast %and3A_11 : vector<16xi32> to vector<16x1xi32>
      %gather3A_166 = vector.shape_cast %broadcast_in_dim3A_165 : vector<16x1xi32> to vector<16xi32>
      %gather3A_167 = tpu.dynamic_gather %min3A_164[%gather3A_166] in [0] : vector<16xi32>, vector<16xi32> -> vector<16xi32>
      %min3A_168 = arith.minsi %min3A_164, %gather3A_167 : vector<16xi32>
      %broadcast_in_dim3A_169 = vector.shape_cast %and3A_17 : vector<16xi32> to vector<16x1xi32>
      %gather3A_170 = vector.shape_cast %broadcast_in_dim3A_169 : vector<16x1xi32> to vector<16xi32>
      %gather3A_171 = tpu.dynamic_gather %min3A_168[%gather3A_170] in [0] : vector<16xi32>, vector<16xi32> -> vector<16xi32>
      %min3A_172 = arith.minsi %min3A_168, %gather3A_171 : vector<16xi32>
      %broadcast_in_dim3A_173 = vector.shape_cast %and3A_23 : vector<16xi32> to vector<16x1xi32>
      %gather3A_174 = vector.shape_cast %broadcast_in_dim3A_173 : vector<16x1xi32> to vector<16xi32>
      %gather3A_175 = tpu.dynamic_gather %min3A_172[%gather3A_174] in [0] : vector<16xi32>, vector<16xi32> -> vector<16xi32>
      %min3A_176 = arith.minsi %min3A_172, %gather3A_175 : vector<16xi32>
      %eq3A_177 = arith.cmpi eq, %iota3A, %min3A_176 : vector<16xi32>
      %jit3A_178 = arith.constant -1.000000e+30 : f32
      %broadcast_in_dim3A_179 = vector.broadcast %jit3A_178 : f32 to vector<16xf32>
      %select_n3A_180 = arith.select %eq3A_177, %broadcast_in_dim3A_179, %select_n3A_140 : vector<16xi1>, vector<16xf32>
      %lt3A_181 = arith.constant -1.000000e+29 : f32
      %lt3A_182 = vector.broadcast %lt3A_181 : f32 to vector<16xf32>
      %lt3A_183 = arith.cmpf olt, %select_n3A_180, %lt3A_182 : vector<16xf32>
      %jit3A_184 = arith.constant -1.000000e+30 : f32
      %broadcast_in_dim3A_185 = vector.broadcast %jit3A_184 : f32 to vector<16xf32>
      %select_n3A_186 = arith.select %lt3A_183, %get3A_27, %broadcast_in_dim3A_185 : vector<16xi1>, vector<16xf32>
      %broadcast_in_dim3A_187 = vector.shape_cast %and3A_5 : vector<16xi32> to vector<16x1xi32>
      %gather3A_188 = vector.shape_cast %broadcast_in_dim3A_187 : vector<16x1xi32> to vector<16xi32>
      %gather3A_189 = tpu.dynamic_gather %select_n3A_186[%gather3A_188] in [0] : vector<16xf32>, vector<16xi32> -> vector<16xf32>
      %max3A_190 = arith.maximumf %select_n3A_186, %gather3A_189 : vector<16xf32>
      %broadcast_in_dim3A_191 = vector.shape_cast %and3A_11 : vector<16xi32> to vector<16x1xi32>
      %gather3A_192 = vector.shape_cast %broadcast_in_dim3A_191 : vector<16x1xi32> to vector<16xi32>
      %gather3A_193 = tpu.dynamic_gather %max3A_190[%gather3A_192] in [0] : vector<16xf32>, vector<16xi32> -> vector<16xf32>
      %max3A_194 = arith.maximumf %max3A_190, %gather3A_193 : vector<16xf32>
      %broadcast_in_dim3A_195 = vector.shape_cast %and3A_17 : vector<16xi32> to vector<16x1xi32>
      %gather3A_196 = vector.shape_cast %broadcast_in_dim3A_195 : vector<16x1xi32> to vector<16xi32>
      %gather3A_197 = tpu.dynamic_gather %max3A_194[%gather3A_196] in [0] : vector<16xf32>, vector<16xi32> -> vector<16xf32>
      %max3A_198 = arith.maximumf %max3A_194, %gather3A_197 : vector<16xf32>
      %broadcast_in_dim3A_199 = vector.shape_cast %and3A_23 : vector<16xi32> to vector<16x1xi32>
      %gather3A_200 = vector.shape_cast %broadcast_in_dim3A_199 : vector<16x1xi32> to vector<16xi32>
      %gather3A_201 = tpu.dynamic_gather %max3A_198[%gather3A_200] in [0] : vector<16xf32>, vector<16xi32> -> vector<16xf32>
      %max3A_202 = arith.maximumf %max3A_198, %gather3A_201 : vector<16xf32>
      %sub3A = arith.subf %select_n3A_186, %max3A_202 : vector<16xf32>
      %exp3A = math.exp %sub3A : vector<16xf32>
      %broadcast_in_dim3A_203 = vector.shape_cast %and3A_5 : vector<16xi32> to vector<16x1xi32>
      %gather3A_204 = vector.shape_cast %broadcast_in_dim3A_203 : vector<16x1xi32> to vector<16xi32>
      %gather3A_205 = tpu.dynamic_gather %exp3A[%gather3A_204] in [0] : vector<16xf32>, vector<16xi32> -> vector<16xf32>
      %add3A_206 = arith.addf %exp3A, %gather3A_205 : vector<16xf32>
      %broadcast_in_dim3A_207 = vector.shape_cast %and3A_11 : vector<16xi32> to vector<16x1xi32>
      %gather3A_208 = vector.shape_cast %broadcast_in_dim3A_207 : vector<16x1xi32> to vector<16xi32>
      %gather3A_209 = tpu.dynamic_gather %add3A_206[%gather3A_208] in [0] : vector<16xf32>, vector<16xi32> -> vector<16xf32>
      %add3A_210 = arith.addf %add3A_206, %gather3A_209 : vector<16xf32>
      %broadcast_in_dim3A_211 = vector.shape_cast %and3A_17 : vector<16xi32> to vector<16x1xi32>
      %gather3A_212 = vector.shape_cast %broadcast_in_dim3A_211 : vector<16x1xi32> to vector<16xi32>
      %gather3A_213 = tpu.dynamic_gather %add3A_210[%gather3A_212] in [0] : vector<16xf32>, vector<16xi32> -> vector<16xf32>
      %add3A_214 = arith.addf %add3A_210, %gather3A_213 : vector<16xf32>
      %broadcast_in_dim3A_215 = vector.shape_cast %and3A_23 : vector<16xi32> to vector<16x1xi32>
      %gather3A_216 = vector.shape_cast %broadcast_in_dim3A_215 : vector<16x1xi32> to vector<16xi32>
      %gather3A_217 = tpu.dynamic_gather %add3A_214[%gather3A_216] in [0] : vector<16xf32>, vector<16xi32> -> vector<16xf32>
      %add3A_218 = arith.addf %add3A_214, %gather3A_217 : vector<16xf32>
      %div3A = arith.divf %exp3A, %add3A_218 : vector<16xf32>
      %swap3A = arith.constant 0 : index
      %swap3A_219 = tpu.vector_load %arg5[%swap3A] {strides = array<i32>} : memref<16xf32, #tpu.memory_space<vmem>>, vector<16xf32>,
      %swap3A_220 = vector.shape_cast %swap3A_219 : vector<16xf32> to vector<16xf32>
      %swap3A_221 = vector.shape_cast %div3A : vector<16xf32> to vector<16xf32>
      tpu.vector_store %arg5[%swap3A], %swap3A_221 {strides = array<i32>} : memref<16xf32, #tpu.memory_space<vmem>>, vector<16xf32>,
      "tpu.region"() ({
        %run_scoped3A = tpu.sem_alloc : memref<!tpu.dma_semaphore, #tpu.memory_space<semaphore_mem>>
        %dma_start3A = arith.constant 0 : i32
        %dma_start3A_222 = tpu.memref_slice %arg3[%add3A, %dma_start3A] : memref<16x16xf32, #tpu.memory_space<hbm>> -> memref<1x16xf32, #tpu.memory_space<hbm>>
        %dma_start3A_223 = tpu.memref_squeeze %dma_start3A_222 : memref<1x16xf32, #tpu.memory_space<hbm>> -> memref<16xf32, #tpu.memory_space<hbm>>
        %dma_start3A_224 = arith.constant 0 : i32
        %dma_start3A_225 = tpu.memref_slice %arg3[%add3A, %dma_start3A_224] : memref<16x16xf32, #tpu.memory_space<hbm>> -> memref<1x16xf32, #tpu.memory_space<hbm>>
        %dma_start3A_226 = tpu.memref_squeeze %dma_start3A_225 : memref<1x16xf32, #tpu.memory_space<hbm>> -> memref<16xf32, #tpu.memory_space<hbm>>
        tpu.enqueue_dma source(%arg5 : memref<16xf32, #tpu.memory_space<vmem>>) target(%dma_start3A_226 : memref<16xf32, #tpu.memory_space<hbm>>) target_semaphore(%run_scoped3A : memref<!tpu.dma_semaphore, #tpu.memory_space<semaphore_mem>>)
        %dma_wait3A = arith.constant 0 : i32
        %dma_wait3A_227 = tpu.memref_slice %arg3[%add3A, %dma_wait3A] : memref<16x16xf32, #tpu.memory_space<hbm>> -> memref<1x16xf32, #tpu.memory_space<hbm>>
        %dma_wait3A_228 = tpu.memref_squeeze %dma_wait3A_227 : memref<1x16xf32, #tpu.memory_space<hbm>> -> memref<16xf32, #tpu.memory_space<hbm>>
        %dma_wait3A_229 = arith.constant 0 : i32
        %dma_wait3A_230 = tpu.memref_slice %arg3[%add3A, %dma_wait3A_229] : memref<16x16xf32, #tpu.memory_space<hbm>> -> memref<1x16xf32, #tpu.memory_space<hbm>>
        %dma_wait3A_231 = tpu.memref_squeeze %dma_wait3A_230 : memref<1x16xf32, #tpu.memory_space<hbm>> -> memref<16xf32, #tpu.memory_space<hbm>>
        tpu.wait_dma2 semaphore(%run_scoped3A : memref<!tpu.dma_semaphore, #tpu.memory_space<semaphore_mem>>) src(%arg5 : memref<16xf32, #tpu.memory_space<vmem>>) dst(%dma_wait3A_231 : memref<16xf32, #tpu.memory_space<hbm>>)
        tpu.yield
      }) : () -> ()
    } else {
    }
    return
  }
}

module attributes {stable_mosaic.version = 14 : i64} {
  func.func @_prep_body(%arg0: memref<16x1024xf32, #tpu.memory_space<vmem>>, %arg1: memref<1x1024xf32, #tpu.memory_space<vmem>>, %arg2: memref<16x1024xf32, #tpu.memory_space<vmem>>, %arg3: memref<1x16xf32, #tpu.memory_space<vmem>>, %arg4: memref<16x1024xf32, #tpu.memory_space<vmem>>, %arg5: memref<16x16xf32, #tpu.memory_space<vmem>>) attributes {dimension_semantics = [], scalar_prefetch = 0 : i64, scratch_operands = 0 : i64, tpu.core_type = #tpu.core_type<tc>} {
    %get3A = arith.constant 0 : index
    %get3A_0 = arith.constant 0 : index
    %get3A_1 = vector.load %arg0[%get3A, %get3A_0] : memref<16x1024xf32, #tpu.memory_space<vmem>>, vector<16x1024xf32>
    %mul3A = arith.mulf %get3A_1, %get3A_1 : vector<16x1024xf32>
    %reduce_sum3A = arith.constant dense<0.000000e+00> : vector<16xf32>
    %reduce_sum3A_2 = vector.multi_reduction <add>, %mul3A, %reduce_sum3A [1] : vector<16x1024xf32> to vector<16xf32>
    %broadcast_in_dim3A = vector.shape_cast %reduce_sum3A_2 : vector<16xf32> to vector<16x1xf32>
    %div3A = arith.constant 1.024000e+03 : f32
    %div3A_3 = vector.broadcast %div3A : f32 to vector<16x1xf32>
    %div3A_4 = arith.divf %broadcast_in_dim3A, %div3A_3 : vector<16x1xf32>
    %add3A = arith.constant 9.99999974E-6 : f32
    %add3A_5 = vector.broadcast %add3A : f32 to vector<16x1xf32>
    %add3A_6 = arith.addf %div3A_4, %add3A_5 : vector<16x1xf32>
    %rsqrt3A = math.rsqrt %add3A_6 : vector<16x1xf32>
    %mul3A_7 = vector.broadcast %rsqrt3A : vector<16x1xf32> to vector<16x1024xf32>
    %mul3A_8 = arith.mulf %get3A_1, %mul3A_7 : vector<16x1024xf32>
    %get3A_9 = arith.constant 0 : index
    %get3A_10 = arith.constant 0 : index
    %get3A_11 = vector.load %arg1[%get3A_9, %get3A_10] : memref<1x1024xf32, #tpu.memory_space<vmem>>, vector<1x1024xf32>
    %mul3A_12 = vector.broadcast %get3A_11 : vector<1x1024xf32> to vector<16x1024xf32>
    %mul3A_13 = arith.mulf %mul3A_8, %mul3A_12 : vector<16x1024xf32>
    %swap3A = arith.constant 0 : index
    %swap3A_14 = arith.constant 0 : index
    %swap3A_15 = vector.load %arg4[%swap3A, %swap3A_14] : memref<16x1024xf32, #tpu.memory_space<vmem>>, vector<16x1024xf32>
    tpu.vector_store %arg4[%swap3A, %swap3A_14], %mul3A_13 {strides = array<i32>} : memref<16x1024xf32, #tpu.memory_space<vmem>>, vector<16x1024xf32>,
    %get3A_16 = arith.constant 0 : index
    %get3A_17 = arith.constant 0 : index
    %get3A_18 = vector.load %arg2[%get3A_16, %get3A_17] : memref<16x1024xf32, #tpu.memory_space<vmem>>, vector<16x1024xf32>
    %dot_general3A = arith.constant dense<0.000000e+00> : vector<16x16xf32>
    %dot_general3A_19 = tpu.matmul %mul3A_13, %get3A_18, %dot_general3A {dimension_numbers = #tpu.dot_dimension_numbers<[1], [1], [0], [0], [0, 0, 1, 0], [], []>, transpose_lhs_hint = false} : vector<16x1024xf32>, vector<16x1024xf32>, vector<16x16xf32> -> vector<16x16xf32>
    %get3A_20 = arith.constant 0 : index
    %get3A_21 = arith.constant 0 : index
    %get3A_22 = vector.load %arg3[%get3A_20, %get3A_21] : memref<1x16xf32, #tpu.memory_space<vmem>>, vector<1x16xf32>
    %add3A_23 = vector.broadcast %get3A_22 : vector<1x16xf32> to vector<16x16xf32>
    %add3A_24 = arith.addf %dot_general3A_19, %add3A_23 : vector<16x16xf32>
    %swap3A_25 = arith.constant 0 : index
    %swap3A_26 = arith.constant 0 : index
    %swap3A_27 = vector.load %arg5[%swap3A_25, %swap3A_26] : memref<16x16xf32, #tpu.memory_space<vmem>>, vector<16x16xf32>
    tpu.vector_store %arg5[%swap3A_25, %swap3A_26], %add3A_24 {strides = array<i32>} : memref<16x16xf32, #tpu.memory_space<vmem>>, vector<16x16xf32>,
    return
  }
}

module attributes {stable_mosaic.version = 14 : i64} {
  func.func @_moe_body(%arg0: i32, %arg1: memref<16x1024xf32, #tpu.memory_space<vmem>>, %arg2: memref<16x1024xf32, #tpu.memory_space<vmem>>, %arg3: memref<16x16xf32, #tpu.memory_space<vmem>>, %arg4: memref<1x512x2048xf32, #tpu.memory_space<vmem>>, %arg5: memref<1x512x2048xf32, #tpu.memory_space<vmem>>, %arg6: memref<1x1x1024xf32, #tpu.memory_space<vmem>>, %arg7: memref<1x1x1024xf32, #tpu.memory_space<vmem>>, %arg8: memref<1x512x1024xf32, #tpu.memory_space<vmem>>, %arg9: memref<1x512x1024xf32, #tpu.memory_space<vmem>>, %arg10: memref<1x1x1024xf32, #tpu.memory_space<vmem>>, %arg11: memref<16x1024xf32, #tpu.memory_space<vmem>>) attributes {dimension_semantics = [#tpu.dimension_semantics<arbitrary>], iteration_bounds = array<i64: 16>, scalar_prefetch = 0 : i64, scratch_operands = 0 : i64, tpu.core_type = #tpu.core_type<tc>, window_params = [{pipeline_mode = #tpu.pipeline_mode<synchronous>, transform_indices = @transform_0, window_bounds = array<i64: 16, 1024>}, {pipeline_mode = #tpu.pipeline_mode<synchronous>, transform_indices = @transform_1, window_bounds = array<i64: 16, 1024>}, {pipeline_mode = #tpu.pipeline_mode<synchronous>, transform_indices = @transform_2, window_bounds = array<i64: 16, 16>}, {transform_indices = @transform_3, window_bounds = array<i64: 1, 512, 2048>}, {transform_indices = @transform_4, window_bounds = array<i64: 1, 512, 2048>}, {transform_indices = @transform_5, window_bounds = array<i64: 1, 1, 1024>}, {transform_indices = @transform_6, window_bounds = array<i64: 1, 1, 1024>}, {transform_indices = @transform_7, window_bounds = array<i64: 1, 512, 1024>}, {transform_indices = @transform_8, window_bounds = array<i64: 1, 512, 1024>}, {transform_indices = @transform_9, window_bounds = array<i64: 1, 1, 1024>}, {pipeline_mode = #tpu.pipeline_mode<synchronous>, transform_indices = @transform_10, window_bounds = array<i64: 16, 1024>}]} {
    %eq3A = arith.constant 0 : i32
    %eq3A_0 = arith.cmpi eq, %arg0, %eq3A : i32
    %convert_element_type3A = arith.extui %eq3A_0 : i1 to i32
    %cond3A = arith.constant 0 : i32
    %cond3A_1 = arith.cmpi ne, %convert_element_type3A, %cond3A : i32
    scf.if %cond3A_1 {
      %get3A_100 = arith.constant 0 : index
      %get3A_101 = arith.constant 0 : index
      %get3A_102 = vector.load %arg1[%get3A_100, %get3A_101] : memref<16x1024xf32, #tpu.memory_space<vmem>>, vector<16x1024xf32>
      %swap3A_103 = arith.constant 0 : index
      %swap3A_104 = arith.constant 0 : index
      %swap3A_105 = vector.load %arg11[%swap3A_103, %swap3A_104] : memref<16x1024xf32, #tpu.memory_space<vmem>>, vector<16x1024xf32>
      tpu.vector_store %arg11[%swap3A_103, %swap3A_104], %get3A_102 {strides = array<i32>} : memref<16x1024xf32, #tpu.memory_space<vmem>>, vector<16x1024xf32>,
    } else {
    }
    %get3A = arith.constant 0 : index
    %get3A_2 = arith.constant 0 : index
    %get3A_3 = vector.load %arg2[%get3A, %get3A_2] : memref<16x1024xf32, #tpu.memory_space<vmem>>, vector<16x1024xf32>
    %convert_element_type3A_4 = arith.truncf %get3A_3 : vector<16x1024xf32> to vector<16x1024xbf16>
    %get3A_5 = arith.constant 0 : index
    %get3A_6 = arith.constant 0 : index
    %get3A_7 = arith.constant 0 : index
    %get3A_8 = vector.load %arg4[%get3A_5, %get3A_6, %get3A_7] : memref<1x512x2048xf32, #tpu.memory_space<vmem>>, vector<1x512x2048xf32>
    %get3A_9 = vector.shape_cast %get3A_8 : vector<1x512x2048xf32> to vector<512x2048xf32>
    %convert_element_type3A_10 = arith.truncf %get3A_9 : vector<512x2048xf32> to vector<512x2048xbf16>
    %slice3A = vector.extract_strided_slice %convert_element_type3A_10 {offsets = [0, 0], sizes = [512, 1024], strides = [1, 1]} : vector<512x2048xbf16> to vector<512x1024xbf16>
    %dot_general3A = arith.constant dense<0.000000e+00> : vector<16x512xf32>
    %dot_general3A_11 = tpu.matmul %convert_element_type3A_4, %slice3A, %dot_general3A {dimension_numbers = #tpu.dot_dimension_numbers<[1], [1], [0], [0], [0, 0, 1, 0], [], []>, transpose_lhs_hint = false} : vector<16x1024xbf16>, vector<512x1024xbf16>, vector<16x512xf32> -> vector<16x512xf32>
    %slice3A_12 = vector.extract_strided_slice %convert_element_type3A_10 {offsets = [0, 1024], sizes = [512, 1024], strides = [1, 1]} : vector<512x2048xbf16> to vector<512x1024xbf16>
    %dot_general3A_13 = arith.constant dense<0.000000e+00> : vector<16x512xf32>
    %dot_general3A_14 = tpu.matmul %convert_element_type3A_4, %slice3A_12, %dot_general3A_13 {dimension_numbers = #tpu.dot_dimension_numbers<[1], [1], [0], [0], [0, 0, 1, 0], [], []>, transpose_lhs_hint = false} : vector<16x1024xbf16>, vector<512x1024xbf16>, vector<16x512xf32> -> vector<16x512xf32>
    %get3A_15 = arith.constant 0 : index
    %get3A_16 = arith.constant 0 : index
    %get3A_17 = arith.constant 0 : index
    %get3A_18 = vector.load %arg5[%get3A_15, %get3A_16, %get3A_17] : memref<1x512x2048xf32, #tpu.memory_space<vmem>>, vector<1x512x2048xf32>
    %get3A_19 = vector.shape_cast %get3A_18 : vector<1x512x2048xf32> to vector<512x2048xf32>
    %convert_element_type3A_20 = arith.truncf %get3A_19 : vector<512x2048xf32> to vector<512x2048xbf16>
    %slice3A_21 = vector.extract_strided_slice %convert_element_type3A_20 {offsets = [0, 0], sizes = [512, 1024], strides = [1, 1]} : vector<512x2048xbf16> to vector<512x1024xbf16>
    %dot_general3A_22 = arith.constant dense<0.000000e+00> : vector<16x512xf32>
    %dot_general3A_23 = tpu.matmul %convert_element_type3A_4, %slice3A_21, %dot_general3A_22 {dimension_numbers = #tpu.dot_dimension_numbers<[1], [1], [0], [0], [0, 0, 1, 0], [], []>, transpose_lhs_hint = false} : vector<16x1024xbf16>, vector<512x1024xbf16>, vector<16x512xf32> -> vector<16x512xf32>
    %slice3A_24 = vector.extract_strided_slice %convert_element_type3A_20 {offsets = [0, 1024], sizes = [512, 1024], strides = [1, 1]} : vector<512x2048xbf16> to vector<512x1024xbf16>
    %dot_general3A_25 = arith.constant dense<0.000000e+00> : vector<16x512xf32>
    %dot_general3A_26 = tpu.matmul %convert_element_type3A_4, %slice3A_24, %dot_general3A_25 {dimension_numbers = #tpu.dot_dimension_numbers<[1], [1], [0], [0], [0, 0, 1, 0], [], []>, transpose_lhs_hint = false} : vector<16x1024xbf16>, vector<512x1024xbf16>, vector<16x512xf32> -> vector<16x512xf32>
    %concatenate3A = tpu.concatenate %dot_general3A_11, %dot_general3A_23 in 1 : vector<16x512xf32>, vector<16x512xf32> -> vector<16x1024xf32>
    %get3A_27 = arith.constant 0 : index
    %get3A_28 = arith.constant 0 : index
    %get3A_29 = arith.constant 0 : index
    %get3A_30 = vector.load %arg6[%get3A_27, %get3A_28, %get3A_29] : memref<1x1x1024xf32, #tpu.memory_space<vmem>>, vector<1x1x1024xf32>
    %get3A_31 = vector.shape_cast %get3A_30 : vector<1x1x1024xf32> to vector<1x1024xf32>
    %add3A = vector.broadcast %get3A_31 : vector<1x1024xf32> to vector<16x1024xf32>
    %add3A_32 = arith.addf %concatenate3A, %add3A : vector<16x1024xf32>
    %concatenate3A_33 = tpu.concatenate %dot_general3A_14, %dot_general3A_26 in 1 : vector<16x512xf32>, vector<16x512xf32> -> vector<16x1024xf32>
    %get3A_34 = arith.constant 0 : index
    %get3A_35 = arith.constant 0 : index
    %get3A_36 = arith.constant 0 : index
    %get3A_37 = vector.load %arg7[%get3A_34, %get3A_35, %get3A_36] : memref<1x1x1024xf32, #tpu.memory_space<vmem>>, vector<1x1x1024xf32>
    %get3A_38 = vector.shape_cast %get3A_37 : vector<1x1x1024xf32> to vector<1x1024xf32>
    %add3A_39 = vector.broadcast %get3A_38 : vector<1x1024xf32> to vector<16x1024xf32>
    %add3A_40 = arith.addf %concatenate3A_33, %add3A_39 : vector<16x1024xf32>
    %min3A = arith.constant 7.000000e+00 : f32
    %min3A_41 = vector.broadcast %min3A : f32 to vector<16x1024xf32>
    %min3A_42 = arith.minimumf %add3A_32, %min3A_41 : vector<16x1024xf32>
    %jit3A = arith.constant -7.000000e+00 : f32
    %jit3A_43 = arith.constant 7.000000e+00 : f32
    %max3A = vector.broadcast %jit3A : f32 to vector<16x1024xf32>
    %max3A_44 = arith.maximumf %max3A, %add3A_40 : vector<16x1024xf32>
    %min3A_45 = vector.broadcast %jit3A_43 : f32 to vector<16x1024xf32>
    %min3A_46 = arith.minimumf %min3A_45, %max3A_44 : vector<16x1024xf32>
    %mul3A = arith.constant 1.702000e+00 : f32
    %mul3A_47 = vector.broadcast %mul3A : f32 to vector<16x1024xf32>
    %mul3A_48 = arith.mulf %mul3A_47, %min3A_42 : vector<16x1024xf32>
    %logistic3A = arith.negf %mul3A_48 : vector<16x1024xf32>
    %logistic3A_49 = math.exp %logistic3A : vector<16x1024xf32>
    %logistic3A_50 = arith.constant 1.000000e+00 : f32
    %logistic3A_51 = vector.broadcast %logistic3A_50 : f32 to vector<16x1024xf32>
    %logistic3A_52 = arith.addf %logistic3A_51, %logistic3A_49 : vector<16x1024xf32>
    %logistic3A_53 = arith.divf %logistic3A_51, %logistic3A_52 : vector<16x1024xf32>
    %mul3A_54 = arith.mulf %min3A_42, %logistic3A_53 : vector<16x1024xf32>
    %add3A_55 = arith.constant 1.000000e+00 : f32
    %add3A_56 = vector.broadcast %add3A_55 : f32 to vector<16x1024xf32>
    %add3A_57 = arith.addf %min3A_46, %add3A_56 : vector<16x1024xf32>
    %mul3A_58 = arith.mulf %mul3A_54, %add3A_57 : vector<16x1024xf32>
    %convert_element_type3A_59 = arith.truncf %mul3A_58 : vector<16x1024xf32> to vector<16x1024xbf16>
    %get3A_60 = arith.constant 0 : index
    %get3A_61 = arith.constant 0 : index
    %get3A_62 = arith.constant 0 : index
    %get3A_63 = vector.load %arg8[%get3A_60, %get3A_61, %get3A_62] : memref<1x512x1024xf32, #tpu.memory_space<vmem>>, vector<1x512x1024xf32>
    %get3A_64 = vector.shape_cast %get3A_63 : vector<1x512x1024xf32> to vector<512x1024xf32>
    %convert_element_type3A_65 = arith.truncf %get3A_64 : vector<512x1024xf32> to vector<512x1024xbf16>
    %dot_general3A_66 = arith.constant dense<0.000000e+00> : vector<16x512xf32>
    %dot_general3A_67 = tpu.matmul %convert_element_type3A_59, %convert_element_type3A_65, %dot_general3A_66 {dimension_numbers = #tpu.dot_dimension_numbers<[1], [1], [0], [0], [0, 0, 1, 0], [], []>, transpose_lhs_hint = false} : vector<16x1024xbf16>, vector<512x1024xbf16>, vector<16x512xf32> -> vector<16x512xf32>
    %get3A_68 = arith.constant 0 : index
    %get3A_69 = arith.constant 0 : index
    %get3A_70 = arith.constant 0 : index
    %get3A_71 = vector.load %arg9[%get3A_68, %get3A_69, %get3A_70] : memref<1x512x1024xf32, #tpu.memory_space<vmem>>, vector<1x512x1024xf32>
    %get3A_72 = vector.shape_cast %get3A_71 : vector<1x512x1024xf32> to vector<512x1024xf32>
    %convert_element_type3A_73 = arith.truncf %get3A_72 : vector<512x1024xf32> to vector<512x1024xbf16>
    %dot_general3A_74 = arith.constant dense<0.000000e+00> : vector<16x512xf32>
    %dot_general3A_75 = tpu.matmul %convert_element_type3A_59, %convert_element_type3A_73, %dot_general3A_74 {dimension_numbers = #tpu.dot_dimension_numbers<[1], [1], [0], [0], [0, 0, 1, 0], [], []>, transpose_lhs_hint = false} : vector<16x1024xbf16>, vector<512x1024xbf16>, vector<16x512xf32> -> vector<16x512xf32>
    %concatenate3A_76 = tpu.concatenate %dot_general3A_67, %dot_general3A_75 in 1 : vector<16x512xf32>, vector<16x512xf32> -> vector<16x1024xf32>
    %get3A_77 = arith.constant 0 : index
    %get3A_78 = arith.constant 0 : index
    %get3A_79 = arith.constant 0 : index
    %get3A_80 = vector.load %arg10[%get3A_77, %get3A_78, %get3A_79] : memref<1x1x1024xf32, #tpu.memory_space<vmem>>, vector<1x1x1024xf32>
    %get3A_81 = vector.shape_cast %get3A_80 : vector<1x1x1024xf32> to vector<1x1024xf32>
    %add3A_82 = vector.broadcast %get3A_81 : vector<1x1024xf32> to vector<16x1024xf32>
    %add3A_83 = arith.addf %concatenate3A_76, %add3A_82 : vector<16x1024xf32>
    %iota3A = tpu.iota {dimensions = array<i32: 1>} : vector<16x16xi32>
    %eq3A_84 = vector.broadcast %arg0 : i32 to vector<16x16xi32>
    %eq3A_85 = arith.cmpi eq, %iota3A, %eq3A_84 : vector<16x16xi32>
    %get3A_86 = arith.constant 0 : index
    %get3A_87 = arith.constant 0 : index
    %get3A_88 = vector.load %arg3[%get3A_86, %get3A_87] : memref<16x16xf32, #tpu.memory_space<vmem>>, vector<16x16xf32>
    %jit3A_89 = arith.constant 0.000000e+00 : f32
    %broadcast_in_dim3A = vector.broadcast %jit3A_89 : f32 to vector<16x16xf32>
    %select_n3A = arith.select %eq3A_85, %get3A_88, %broadcast_in_dim3A : vector<16x16xi1>, vector<16x16xf32>
    %reduce_sum3A = arith.constant dense<0.000000e+00> : vector<16xf32>
    %reduce_sum3A_90 = vector.multi_reduction <add>, %select_n3A, %reduce_sum3A [1] : vector<16x16xf32> to vector<16xf32>
    %broadcast_in_dim3A_91 = vector.shape_cast %reduce_sum3A_90 : vector<16xf32> to vector<16x1xf32>
    %get3A_92 = arith.constant 0 : index
    %get3A_93 = arith.constant 0 : index
    %get3A_94 = vector.load %arg11[%get3A_92, %get3A_93] : memref<16x1024xf32, #tpu.memory_space<vmem>>, vector<16x1024xf32>
    %mul3A_95 = vector.broadcast %broadcast_in_dim3A_91 : vector<16x1xf32> to vector<16x1024xf32>
    %mul3A_96 = arith.mulf %add3A_83, %mul3A_95 : vector<16x1024xf32>
    %add3A_97 = arith.addf %get3A_94, %mul3A_96 : vector<16x1024xf32>
    %swap3A = arith.constant 0 : index
    %swap3A_98 = arith.constant 0 : index
    %swap3A_99 = vector.load %arg11[%swap3A, %swap3A_98] : memref<16x1024xf32, #tpu.memory_space<vmem>>, vector<16x1024xf32>
    tpu.vector_store %arg11[%swap3A, %swap3A_98], %add3A_97 {strides = array<i32>} : memref<16x1024xf32, #tpu.memory_space<vmem>>, vector<16x1024xf32>,
    return
  }
  func.func @transform_0(%arg0: i32) -> (i32, i32) {
    %c0_i32 = arith.constant 0 : i32
    %c0_i32_0 = arith.constant 0 : i32
    %c0_i32_1 = arith.constant 0 : i32
    return %c0_i32, %c0_i32_0 : i32, i32
  }
  func.func @transform_1(%arg0: i32) -> (i32, i32) {
    %c0_i32 = arith.constant 0 : i32
    %c0_i32_0 = arith.constant 0 : i32
    %c0_i32_1 = arith.constant 0 : i32
    return %c0_i32, %c0_i32_0 : i32, i32
  }
  func.func @transform_2(%arg0: i32) -> (i32, i32) {
    %c0_i32 = arith.constant 0 : i32
    %c0_i32_0 = arith.constant 0 : i32
    %c0_i32_1 = arith.constant 0 : i32
    return %c0_i32, %c0_i32_0 : i32, i32
  }
  func.func @transform_3(%arg0: i32) -> (i32, i32, i32) {
    %c0_i32 = arith.constant 0 : i32
    %c0_i32_0 = arith.constant 0 : i32
    %c0_i32_1 = arith.constant 0 : i32
    return %arg0, %c0_i32, %c0_i32_0 : i32, i32, i32
  }
  func.func @transform_4(%arg0: i32) -> (i32, i32, i32) {
    %c1_i32 = arith.constant 1 : i32
    %c0_i32 = arith.constant 0 : i32
    %c0_i32_0 = arith.constant 0 : i32
    return %arg0, %c1_i32, %c0_i32 : i32, i32, i32
  }
  func.func @transform_5(%arg0: i32) -> (i32, i32, i32) {
    %c0_i32 = arith.constant 0 : i32
    %c0_i32_0 = arith.constant 0 : i32
    %c0_i32_1 = arith.constant 0 : i32
    return %arg0, %c0_i32, %c0_i32_0 : i32, i32, i32
  }
  func.func @transform_6(%arg0: i32) -> (i32, i32, i32) {
    %c0_i32 = arith.constant 0 : i32
    %c0_i32_0 = arith.constant 0 : i32
    %c0_i32_1 = arith.constant 0 : i32
    return %arg0, %c0_i32, %c0_i32_0 : i32, i32, i32
  }
  func.func @transform_7(%arg0: i32) -> (i32, i32, i32) {
    %c0_i32 = arith.constant 0 : i32
    %c0_i32_0 = arith.constant 0 : i32
    %c0_i32_1 = arith.constant 0 : i32
    return %arg0, %c0_i32, %c0_i32_0 : i32, i32, i32
  }
  func.func @transform_8(%arg0: i32) -> (i32, i32, i32) {
    %c1_i32 = arith.constant 1 : i32
    %c0_i32 = arith.constant 0 : i32
    %c0_i32_0 = arith.constant 0 : i32
    return %arg0, %c1_i32, %c0_i32 : i32, i32, i32
  }
  func.func @transform_9(%arg0: i32) -> (i32, i32, i32) {
    %c0_i32 = arith.constant 0 : i32
    %c0_i32_0 = arith.constant 0 : i32
    %c0_i32_1 = arith.constant 0 : i32
    return %arg0, %c0_i32, %c0_i32_0 : i32, i32, i32
  }
  func.func @transform_10(%arg0: i32) -> (i32, i32) {
    %c0_i32 = arith.constant 0 : i32
    %c0_i32_0 = arith.constant 0 : i32
    %c0_i32_1 = arith.constant 0 : i32
    return %c0_i32, %c0_i32_0 : i32, i32
  }
}

</mosaic_0001>

<sc_bundles>
// kernel: kernel.5.cloned.1.call-start
scs
__scs_entry_jumppad:
0x0: {  	(pc) =	sbr.rel $0x88, $3  }
0x1: {  	(tag) =	ssettag $0x0;
	lr =	simm.s32 $0x1  }
0x2: {  	[smem:$0x3F99] =	sst lr;
	_ =	strace $0xD0000000  }
0x3: {  	_ = 	snop  }
0x4: {  	_ = 	snop  }
0x5: {  	_ = 	snop  }
0x6: {  	_ = 	snop  }
0x7: {  	_ = 	snop  }
__scs_overlays_trampoline_lowered:
0x8: {  	[smem:$0x3FA8] =	sst s0  }
0x9: {  	[smem:$0x3FA9] =	sst s1  }
0xa: {  	[smem:$0x3FAA] =	sst s2  }
0xb: {  	[smem:$0x3FAB] =	sst s3  }
0xc: {  	[smem:$0x3FAC] =	sst s4  }
0xd: {  	[smem:$0x3FAD] =	sst s5  }
0xe: {  	[smem:$0x3FAE] =	sst s6  }
0xf: {  	[smem:$0x3FAF] =	sst s7  }
0x10: {  	[smem:$0x3FB0] =	sst s8  }
0x11: {  	[smem:$0x3FB1] =	sst s9;
	s0 =	simm.s32 @!p0 $0x0  }
0x12: {  	s1 =	sld [smem:$0x3F97];
	s0 =	simm.s32 @p0 $0x1  }
0x13: {  	[smem:$0x3FB2] =	sst s0;
	s0 =	simm.s32 @!p1 $0x0  }
0x14: {  	s2 =	sld [smem:$0x3F96];
	s0 =	simm.s32 @p1 $0x1  }
0x15: {  	[smem:$0x3FB3] =	sst s0;
	s0 =	simm.s32 @!p2 $0x0  }
0x16: {  	s3 =	sld [smem:$0x3FDB];
	s0 =	simm.s32 @p2 $0x1  }
0x17: {  	s4 =	simm.s32 $0x1BF5;
	[smem:$0x3FB5] =	sst s0  }
0x18: {  	s0 =	sld [smem:$0x3F98];
	_ =	swait.ge [sflag:s4], $0x0  }
0x19: {  	s7 =	sld [smem:$0x3F99]  }
0x1a: {  	s8 =	sadd.s32 $0xFFFFE003, lr  }
0x1b: {  	s9 =	sadd.s32 $0xFFFFFEF7, lr;
	s5 =	simm.s32 $0xFFFFFFFF;
	p2 =	slt.u32 s8, $0xFFFFF086  }
0x1c: {  	p1 =	slt.u32 s9, $0xF7A;
	s5 =	simm.s32 @!p2 $0x0  }
0x1d: {  	s5 =	simm.s32 @p1 $0x1;
	p0 =	seq.s32 s7, s2  }
0x1e: {  	s7 =	smul.u32 @!p0 $0xF7A, s2;
	p2 =	seq.s32 @!p0 s5, $0x0  }
0x1f: {  	s9 =	smul.u32 $0xF7A, s1;
	s8 =	simm.s32 @!p0 $0x1BF5;
	p2 =	por !p2, p0  }
0x20: {  	[sflag:s8] =	ssyncset.s32 @!p0 $0xFFFFF086;
	s6 =	sadd.s32 @!p0 s3, s7;
	s7 =	simm.s32 @!p0 $0x108  }
0x21: {  	s3 =	sadd.s32 s3, s9;
	s6 =	sadd.s32 @!p0 $0x88, s6;
	s7 =	simm.s32 @p2 $0x1082  }
0x22: {  	[simem:s7], [sflag:s8] =	dma.local @!p0 [hbm:s6], $0xF7A  }
0x23: {  	s9 =	sor.u32 $0xD0000000, s2;
	s6 =	simm.s32 $0x108;
	_ =	swait.ge @!p0 [sflag:s8], $0x0  }
0x24: {  	s3 =	sadd.s32 $0x88, s3;
	s6 =	simm.s32 @!p1 $0x1082;
	[sflag:s4] =	ssyncset.s32 $0xFFFFF086  }
0x25: {  	[simem:s6], [sflag:s4] =	dma.local [hbm:s3], $0xF7A  }
0x26: {  	[smem:$0x3F99] =	sst s1;
	(tag) =	ssettag s2;
	_ =	strace s9  }
0x27: {  	s1 =	sld [smem:$0x3FA9]  }
0x28: {  	s2 =	sld [smem:$0x3FAA]  }
0x29: {  	s4 =	sld [smem:$0x3FAC]  }
0x2a: {  	p0 =	seq.s32 s5, $0x0;
	s5 =	sld [smem:$0x3FAD]  }
0x2b: {  	s6 =	sld [smem:$0x3FAE]  }
0x2c: {  	s7 =	sld [smem:$0x3FAF]  }
0x2d: {  	s3 =	simm.s32 $0x108;
	s8 =	sld [smem:$0x3FB0]  }
0x2e: {  	s3 =	simm.s32 @!p0 $0x1082;
	s9 =	sld [smem:$0x3FB1]  }
0x2f: {  	lr =	sadd.s32 s0, s3;
	s0 =	sld [smem:$0x3FA8]  }
0x30: {  	s3 =	sld [smem:$0x3FAB]  }
0x31: {  	[smem:$0x3FB4] =	sst s10  }
0x32: {  	s10 =	sld [smem:$0x3FB2];
	_ =	sdelay $0x3  }
0x33: {  	p0 =	seq.s32 s10, $0x1;
	s10 =	sld [smem:$0x3FB4];
	_ =	sdelay $0x3  }
0x34: {  	[smem:$0x3FB4] =	sst s10  }
0x35: {  	s10 =	sld [smem:$0x3FB3];
	_ =	sdelay $0x3  }
0x36: {  	p1 =	seq.s32 s10, $0x1;
	s10 =	sld [smem:$0x3FB4];
	_ =	sdelay $0x3  }
0x37: {  	[smem:$0x3FB4] =	sst s10  }
0x38: {  	s10 =	sld [smem:$0x3FB5]  }
0x39: {  	_ = 	snop;
	(pc) =	sbr.ind lr, $3  }
0x3a: {  	_ = 	snop  }
0x3b: {  	_ = 	snop  }
0x3c: {  	p2 =	seq.s32 s10, $0x1;
	s10 =	sld [smem:$0x3FB4]  }
0x3d: {  	_ =	shalt  }
0x3e: {  	_ =	shalt  }
0x3f: {  	_ =	shalt  }
0x40: {  	_ =	shalt  }
0x41: {  	_ =	shalt  }
0x42: {  	_ =	shalt  }
0x43: {  	_ =	shalt  }
0x44: {  	_ =	shalt  }
0x45: {  	_ =	shalt  }
0x46: {  	_ =	shalt  }
0x47: {  	_ =	shalt  }
0x48: {  	_ =	shalt  }
0x49: {  	_ =	shalt  }
0x4a: {  	_ =	shalt  }
0x4b: {  	_ =	shalt  }
0x4c: {  	_ =	shalt  }
0x4d: {  	_ =	shalt  }
0x4e: {  	_ =	shalt  }
0x4f: {  	_ =	shalt  }
0x50: {  	_ =	shalt  }
0x51: {  	_ =	shalt  }
0x52: {  	_ =	shalt  }
0x53: {  	_ =	shalt  }
0x54: {  	_ =	shalt  }
0x55: {  	_ =	shalt  }
0x56: {  	_ =	shalt  }
0x57: {  	_ =	shalt  }
0x58: {  	_ =	shalt  }
0x59: {  	_ =	shalt  }
0x5a: {  	_ =	shalt  }
0x5b: {  	_ =	shalt  }
0x5c: {  	_ =	shalt  }
0x5d: {  	_ =	shalt  }
0x5e: {  	_ =	shalt  }
0x5f: {  	_ =	shalt  }
0x60: {  	_ =	shalt  }
0x61: {  	_ =	shalt  }
0x62: {  	_ =	shalt  }
0x63: {  	_ =	shalt  }
0x64: {  	_ =	shalt  }
0x65: {  	_ =	shalt  }
0x66: {  	_ =	shalt  }
0x67: {  	_ =	shalt  }
0x68: {  	_ =	shalt  }
0x69: {  	_ =	shalt  }
0x6a: {  	_ =	shalt  }
0x6b: {  	_ =	shalt  }
0x6c: {  	_ =	shalt  }
0x6d: {  	_ =	shalt  }
0x6e: {  	_ =	shalt  }
0x6f: {  	_ =	shalt  }
0x70: {  	_ =	shalt  }
0x71: {  	_ =	shalt  }
0x72: {  	_ =	shalt  }
0x73: {  	_ =	shalt  }
0x74: {  	_ =	shalt  }
0x75: {  	_ =	shalt  }
0x76: {  	_ =	shalt  }
0x77: {  	_ =	shalt  }
0x78: {  	_ =	shalt  }
0x79: {  	_ =	shalt  }
0x7a: {  	_ =	shalt  }
0x7b: {  	_ =	shalt  }
0x7c: {  	_ =	shalt  }
0x7d: {  	_ =	shalt  }
0x7e: {  	_ =	shalt  }
0x7f: {  	_ =	shalt  }
0x80: {  	_ =	shalt  }
0x81: {  	_ =	shalt  }
0x82: {  	_ =	shalt  }
0x83: {  	_ =	shalt  }
0x84: {  	_ =	shalt  }
0x85: {  	_ =	shalt  }
0x86: {  	_ =	shalt  }
0x87: {  	_ =	shalt  }
.Lfunc_end0:
.L_simem_size_0:
called_computation_lowered:
.L_overlay_start_0:
0x88: {  	s2 =	sld [smem:$0x3FD9]  }
0x89: {  	s3 =	sld [smem:$0x3FFE];
	_ =	sdelay $0x1  }
0x8a: {  	s1 =	srdreg.scid  }
0x8b: {  	s0 =	sand.u32 $0x1, s1  }
0x8c: {  	s17 =	sshll.u32 s0, $0xA;
	s2 =	sadd.s32 s3, s2  }
0x8d: {  	s2 =	sadd.s32 s2, s17  }
0x8e: {  	[smem:$0x3FC0] =	sst s2  }
0x8f: {  	_ = 	snop  }
0x90: {  	s2 =	sld [smem:$0x3FD0];
	(tm) =	ssettm $0x1  }
0x91: {  	s18 =	sld [smem:$0x3FFB];
	_ =	sdelay $0x3  }
0x92: {  	_ =	strace s18  }
0x93: {  	s3 =	sld [smem:$0x3FFC];
	_ =	sdelay $0x3  }
0x94: {  	_ =	strace s3  }
0x95: {  	s3 =	sld [smem:$0x3FFD];
	_ =	sdelay $0x3  }
0x96: {  	_ =	strace s3  }
0x97: {  	_ =	strace $0x8FFFFFFF  }
0x98: {  	s19 =	sld [smem:$0x3FDB];
	_ =	sdelay $0x1  }
0x99: {  	s4 =	simm.s32 $_scs_section_size  }
0x9a: {  	s5 =	simm.s32 $_size__tile_overlayer_lowered;
	s6 =	simm.s32 $_tile_overlayer_lowered  }
0x9b: {  	s22 =	simm.s32 $0x1BFF;
	s21 =	sshll.u32 s6, $0x1;
	s3 =	sadd.s32 s4, s19  }
0x9c: {  	s7 =	simm.s32 $0x0;
	s20 =	sshll.u32 s5, $0x1;
	s5 =	sadd.s32 s21, s3  }
0x9d: {  	[timem:s7], [sflag:s22] =	dma.local [hbm:s5], s20  }
0x9e: {  	_ =	swait.ge [sflag:s22], s20  }
0x9f: {  	s4 =	ssub.s32 $0x0, s20;
	[sflag:s22] =	ssyncset.done $0x0  }
0xa0: {  	[sflag:s22] =	ssyncadd.s32 s4;
	_ =	sdelay $0x1  }
0xa1: {  	s23 =	simm.s32 $0x1B8B  }
0xa2: {  	_ =	swait.ge [sflag:s23], $0x1  }
0xa3: {  	[sflag:s23] =	ssyncset.done $0x0  }
0xa4: {  	s25 =	simm.s32 $0x1B8E;
	s24 =	sld [smem:$0x3FFE];
	[sflag:s23] =	ssyncadd.s32 $0xFFFFFFFF  }
0xa5: {  	s26 =	simm.s32 $execute0_lowered;
	[smem:$0x3FD2] =	sst s25  }
0xa6: {  	s5 =	sshll.u32 s26, $0x1;
	_ =	strace $0x80000046;
	[dreg:$0x1] =	wrdreg $0xFFFFFFFF  }
0xa7: {  	s28 =	simm.s32 $_size_execute0_lowered;
	s3 =	sadd.s32 s3, s5;
	[dreg:$0x0] =	wrdreg $0x0  }
0xa8: {  	s5 =	sshll.u32 s28, $0x1;
	[dreg:$0x2] =	wrdreg s3  }
0xa9: {  	[dreg:$0x3] =	wrdreg s5  }
0xaa: {  	[dreg:$0x4] =	wrdreg $0xC0  }
0xab: {  	_ =	task [dreg:s7], $0x5FFFF  }
0xac: {  	[dreg:$0x1] =	wrdreg $0xFFFFFFFF  }
0xad: {  	[dreg:$0x0] =	wrdreg $0x60  }
0xae: {  	[dreg:$0x2] =	wrdreg s2  }
0xaf: {  	[dreg:$0x3] =	wrdreg s24  }
0xb0: {  	[dreg:$0x4] =	wrdreg $0x9  }
0xb1: {  	_ =	task.clear_ibuf [dreg:s7], $0x5FFFF;
	_ =	strace $0x90000046  }
0xb2: {  	s29 =	simm.s32 $0x9;
	_ =	strace $0x80000048  }
0xb3: {  	_ =	swait.ge [sflag:s29], $0x1  }
0xb4: {  	[sflag:s29] =	ssyncadd.s32 $0xFFFFFFFF  }
0xb5: {  	_ =	strace $0x90000048  }
0xb6: {  	_ =	sfence  }
0xb7: {  	s30 =	sld [smem:$0x0];
	_ =	sdelay $0x2  }
0xb8: {  	s31 =	sshll.u32 s1, $0xD;
	s1 =	sshrl.u32 s1, $0x2  }
0xb9: {  	s3 =	sand.u32 $0x4000, s31;
	s1 =	sadd.s32 s1, s30  }
0xba: {  	s0 =	sor.u32 s3, s0;
	s1 =	sshll.u32 s1, $0x11  }
0xbb: {  	s0 =	sor.u32 s1, s0  }
0xbc: {  	s0 =	sadd.s32 $0x8F2B, s0  }
0xbd: {  	[sflag:s0] =	ssyncadd.remote.s32 $0x1  }
0xbe: {  	_ =	sfence.sel $0xFFFF  }
0xbf: {  	[dreg:$0x0] =	wrdreg $0xFFFFFFFF;
	(pc) =	sbr.abs _section_cstart, $3  }
0xc0: {  	[dreg:$0x1] =	wrdreg $0xFFFFFFFF  }
0xc1: {  	_ =	task.clear_ibuf [dreg:s7], $0x2FFFF;
	_ =	strace $0x9FFFFFFF  }
0xc2: {  	(tm) =	ssettm $0x7FFFFFFF  }
0xc3: {  	_ =	shalt  }
tec
execute0_lowered:
.L_overlay_start_1:
0x0: {  	(tag) =	ssettag $0x1  }
0x1: {  	s1 =	stileid.u32  }
0x2: {  	p0 =	sgt.u32 s1, $0x7  }
.Ltmp0:
0x3: {  	_ = 	snop;
	(pc) =	sbr.rel @p0 .LBB2_4-.Ltmp0, $4  }
0x4: {  	s3 =	rddreg [dreg:$0x0]  }
0x5: {  	s5 =	rddreg [dreg:$0x1];
	s2 =	simm.s32 $0x0  }
0x6: {  	[smem:$0x7FF] =	sst s2  }
0x7: {  	s0 =	rddreg [dreg:$0x2];
	_ =	strace $0x80000047  }
0x8: {  	s4 =	srdreg.scid  }
0x9: {  	s7 =	sand.u32 $0x1, s4  }
0xa: {  	s30 =	sshll.u32 s1, $0x5;
	s6 =	sshll.u32 s7, $0x4  }
0xb: {  	s6 =	sor.u32 s6, s30  }
0xc: {  	s4 =	sadd.s32 s3, s6;
	s3 =	simm.s32 $0x1  }
0xd: {  	v0 =	vimm.s32 $0xFEDCBA98;
	[tilespmem:s2], [sflag:$0x1] =	stream.linear.gather [hbm4b:s4+s2], $0x80, $0x38;
	[tilespmem:$0x100] =	vst v63  }
0xe: {  	v1 =	vimm.s32 $0x76543210;
	v0 =	vunpack.c.l.s4.s8 v0;
	_ =	swait.ge [sflag:s3], $0x80  }
0xf: {  	v2 =	vimm.s32 $0x3210FEDC;
	v3 =	vimm.s32 $0xBA987654;
	v1 =	vunpack.c.l.s4.s8 v1;
	[sflag:s3] =	ssyncset.done $0x0  }
0x10: {  	v2 =	vunpack.c.l.s4.s8 v2;
	v3 =	vunpack.c.l.s4.s8 v3;
	v0 =	vunpack.c.0.s8.s32 v0;
	[sflag:s3] =	ssyncadd.s32 $0xFFFFFF80  }
0x11: {  	v1 =	vunpack.c.0.s8.s32 v1;
	v5 =	vld [tilespmem:$0x0]  }
0x12: {  	v2 =	vunpack.c.0.s8.s32 v2;
	v3 =	vunpack.c.0.s8.s32 v3;
	v0 =	vand.u32 $0xF, v0  }
0x13: {  	v0 =	vcombine.low v0, v1;
	v1 =	vimm.s32 $0x10FEDCBA  }
0x14: {  	v2 =	vcombine.low v3, v2;
	v3 =	vunpack.c.l.s4.s8 v1;
	v1 =	vimm.s32 $0x98765432  }
0x15: {  	v4 =	vunpack.c.l.s4.s8 v1  }
0x16: {  	v1 =	vand.u32 $0xF, v2;
	v2 =	vunpack.c.0.s8.s32 v3;
	v3 =	vperm.xlane v5, v0  }
0x17: {  	v6 =	vimm.s32 $0xFEDCBA9;
	v7 =	vimm.s32 $0x87654321;
	v4 =	vunpack.c.0.s8.s32 v4  }
0x18: {  	v6 =	vunpack.c.l.s4.s8 v6;
	v7 =	vunpack.c.l.s4.s8 v7;
	v3 =	vmax.f32 v5, v3  }
0x19: {  	v2 =	vcombine.low v4, v2;
	v4 =	vperm.xlane v3, v1  }
0x1a: {  	v6 =	vunpack.c.0.s8.s32 v6;
	v7 =	vunpack.c.0.s8.s32 v7  }
0x1b: {  	v2 =	vand.u32 $0xF, v2;
	v4 =	vmax.f32 v3, v4  }
0x1c: {  	v3 =	vcombine.low v7, v6;
	v6 =	vperm.xlane v4, v2;
	_ =	sdelay $0x1  }
0x1d: {  	v3 =	vand.u32 $0xF, v3;
	v4 =	vmax.f32 v4, v6  }
0x1e: {  	v6 =	vperm.xlane v4, v3;
	_ =	sdelay $0x1  }
0x1f: {  	v6 =	vmax.f32 v4, v6  }
0x20: {  	v4 =	vlaneseq.u32;
	vm0 =	veq.f32 v5, v6  }
0x21: {  	v6 =	vnsel vm0, $0x10, v4  }
0x22: {  	v7 =	vperm.xlane v6, v0;
	_ =	sdelay $0x1  }
0x23: {  	vm0 =	vlt.s32 v6, v7  }
0x24: {  	v6 =	vsel vm0, v6, v7  }
0x25: {  	v7 =	vperm.xlane v6, v1;
	_ =	sdelay $0x1  }
0x26: {  	vm0 =	vlt.s32 v6, v7  }
0x27: {  	v6 =	vsel vm0, v6, v7  }
0x28: {  	v7 =	vperm.xlane v6, v2;
	_ =	sdelay $0x1  }
0x29: {  	vm0 =	vlt.s32 v6, v7  }
0x2a: {  	v6 =	vsel vm0, v6, v7  }
0x2b: {  	v7 =	vperm.xlane v6, v3;
	_ =	sdelay $0x1  }
0x2c: {  	vm0 =	vlt.s32 v6, v7  }
0x2d: {  	v6 =	vsel vm0, v6, v7  }
0x2e: {  	vm0 =	veq.s32 v6, v4  }
0x2f: {  	v6 =	vsel vm0, $0xF149F2CA, v5  }
0x30: {  	v7 =	vperm.xlane v6, v0;
	_ =	sdelay $0x1  }
0x31: {  	v7 =	vmax.f32 v6, v7  }
0x32: {  	v8 =	vperm.xlane v7, v1;
	_ =	sdelay $0x1  }
0x33: {  	v7 =	vmax.f32 v7, v8  }
0x34: {  	v8 =	vperm.xlane v7, v2;
	_ =	sdelay $0x1  }
0x35: {  	v7 =	vmax.f32 v7, v8  }
0x36: {  	v8 =	vperm.xlane v7, v3;
	_ =	sdelay $0x1  }
0x37: {  	v7 =	vmax.f32 v7, v8  }
0x38: {  	vm0 =	veq.f32 v6, v7  }
0x39: {  	v7 =	vnsel vm0, $0x10, v4  }
0x3a: {  	v59 =	vperm.xlane v7, v0;
	_ =	sdelay $0x1  }
0x3b: {  	vm0 =	vlt.s32 v7, v59  }
0x3c: {  	v7 =	vsel vm0, v7, v59  }
0x3d: {  	v8 =	vperm.xlane v7, v1;
	_ =	sdelay $0x1  }
0x3e: {  	vm0 =	vlt.s32 v7, v8  }
0x3f: {  	v7 =	vsel vm0, v7, v8  }
0x40: {  	v8 =	vperm.xlane v7, v2;
	_ =	sdelay $0x1  }
0x41: {  	vm0 =	vlt.s32 v7, v8  }
0x42: {  	v7 =	vsel vm0, v7, v8  }
0x43: {  	v8 =	vperm.xlane v7, v3;
	_ =	sdelay $0x1  }
0x44: {  	vm0 =	vlt.s32 v7, v8  }
0x45: {  	v7 =	vsel vm0, v7, v8  }
0x46: {  	vm0 =	veq.s32 v7, v4  }
0x47: {  	v6 =	vsel vm0, $0xF149F2CA, v6  }
0x48: {  	v7 =	vperm.xlane v6, v0;
	_ =	sdelay $0x1  }
0x49: {  	v7 =	vmax.f32 v6, v7  }
0x4a: {  	v60 =	vperm.xlane v7, v1;
	_ =	sdelay $0x1  }
0x4b: {  	v7 =	vmax.f32 v7, v60  }
0x4c: {  	v8 =	vperm.xlane v7, v2;
	_ =	sdelay $0x1  }
0x4d: {  	v7 =	vmax.f32 v7, v8  }
0x4e: {  	v8 =	vperm.xlane v7, v3;
	_ =	sdelay $0x1  }
0x4f: {  	v7 =	vmax.f32 v7, v8  }
0x50: {  	vm0 =	veq.f32 v6, v7  }
0x51: {  	v7 =	vnsel vm0, $0x10, v4  }
0x52: {  	v61 =	vperm.xlane v7, v0;
	_ =	sdelay $0x1  }
0x53: {  	vm0 =	vlt.s32 v7, v61  }
0x54: {  	v7 =	vsel vm0, v7, v61  }
0x55: {  	v8 =	vperm.xlane v7, v1;
	_ =	sdelay $0x1  }
0x56: {  	vm0 =	vlt.s32 v7, v8  }
0x57: {  	v7 =	vsel vm0, v7, v8  }
0x58: {  	v8 =	vperm.xlane v7, v2;
	_ =	sdelay $0x1  }
0x59: {  	vm0 =	vlt.s32 v7, v8  }
0x5a: {  	v7 =	vsel vm0, v7, v8  }
0x5b: {  	v8 =	vperm.xlane v7, v3;
	_ =	sdelay $0x1  }
0x5c: {  	vm0 =	vlt.s32 v7, v8  }
0x5d: {  	v7 =	vsel vm0, v7, v8  }
0x5e: {  	vm0 =	veq.s32 v7, v4  }
0x5f: {  	v6 =	vsel vm0, $0xF149F2CA, v6  }
0x60: {  	v7 =	vperm.xlane v6, v0;
	_ =	sdelay $0x1  }
0x61: {  	v7 =	vmax.f32 v6, v7  }
0x62: {  	v62 =	vperm.xlane v7, v1;
	_ =	sdelay $0x1  }
0x63: {  	v7 =	vmax.f32 v7, v62  }
0x64: {  	v8 =	vperm.xlane v7, v2;
	_ =	sdelay $0x1  }
0x65: {  	v7 =	vmax.f32 v7, v8  }
0x66: {  	v8 =	vperm.xlane v7, v3;
	_ =	sdelay $0x1  }
0x67: {  	v7 =	vmax.f32 v7, v8  }
0x68: {  	vm0 =	veq.f32 v6, v7  }
0x69: {  	v7 =	vnsel vm0, $0x10, v4  }
0x6a: {  	v63 =	vperm.xlane v7, v0;
	_ =	sdelay $0x1  }
0x6b: {  	vm0 =	vlt.s32 v7, v63  }
0x6c: {  	v7 =	vsel vm0, v7, v63  }
0x6d: {  	v8 =	vperm.xlane v7, v1;
	_ =	sdelay $0x1  }
0x6e: {  	vm0 =	vlt.s32 v7, v8  }
0x6f: {  	v7 =	vsel vm0, v7, v8  }
0x70: {  	v8 =	vperm.xlane v7, v2;
	_ =	sdelay $0x1  }
0x71: {  	vm0 =	vlt.s32 v7, v8  }
0x72: {  	v7 =	vsel vm0, v7, v8  }
0x73: {  	v8 =	vperm.xlane v7, v3;
	_ =	sdelay $0x1  }
0x74: {  	vm0 =	vlt.s32 v7, v8  }
0x75: {  	v7 =	vsel vm0, v7, v8  }
0x76: {  	vm1 =	vlt.f32 v6, $-1.000000020e+29;
	vm0 =	veq.s32 v7, v4  }
0x77: {  	vm0 =	vmor vm0, vm1  }
0x78: {  	v5 =	vnsel vm0, $0xF149F2CA, v5  }
0x79: {  	v6 =	vperm.xlane v5, v0;
	_ =	sdelay $0x1  }
0x7a: {  	v6 =	vmax.f32 v5, v6  }
0x7b: {  	v7 =	vperm.xlane v6, v1;
	_ =	sdelay $0x1  }
0x7c: {  	v6 =	vmax.f32 v6, v7  }
0x7d: {  	v7 =	vperm.xlane v6, v2;
	_ =	sdelay $0x1  }
0x7e: {  	v6 =	vmax.f32 v6, v7  }
0x7f: {  	v7 =	vperm.xlane v6, v3;
	_ =	sdelay $0x1  }
0x80: {  	v6 =	vmax.f32 v6, v7  }
0x81: {  	v5 =	vsub.f32 v5, v6;
	_ =	sdelay $0x1  }
0x82: {  	v5 =	vmul.f32 $1.442695020e+00, v5;
	_ =	sdelay $0x1  }
0x83: {  	(erf) = vpow2.f32 v5;
	_ =	sdelay $0x8  }
0x84: {  	v5 =	vpop (erf)  }
0x85: {  	v6 =	vperm.xlane v5, v0;
	_ =	sdelay $0x1  }
0x86: {  	v6 =	vadd.f32 v5, v6;
	_ =	sdelay $0x1  }
0x87: {  	v7 =	vperm.xlane v6, v1;
	_ =	sdelay $0x1  }
0x88: {  	v6 =	vadd.f32 v6, v7;
	_ =	sdelay $0x1  }
0x89: {  	v7 =	vperm.xlane v6, v2;
	_ =	sdelay $0x1  }
0x8a: {  	v6 =	vadd.f32 v6, v7;
	_ =	sdelay $0x1  }
0x8b: {  	v7 =	vperm.xlane v6, v3;
	_ =	sdelay $0x1  }
0x8c: {  	v6 =	vadd.f32 v6, v7;
	_ =	sdelay $0x1  }
0x8d: {  	(erf) = vrcp.f32 v6;
	_ =	sdelay $0x5  }
0x8e: {  	s7 =	ssub.s32 $0x2, s7  }
0x8f: {  	s8 =	sshrl.u32 s7, $0x1  }
0x90: {  	s31 =	ssub.s32 s7, s8  }
0x91: {  	s7 =	smax.u32 s31, $0x1;
	v6 =	vpop (erf)  }
0x92: {  	p0 =	sne.s32 s7, $0x1;
	v5 =	vmul.f32 v6, v5  }
.Ltmp1:
0x93: {  	s5 =	sadd.s32 s6, s5;
	(pc) =	sbr.rel @!p0 .LBB2_3-.Ltmp1, $4  }
0x94: {  	s6 =	simm.s32 $0x80;
	s5 =	sadd.s32 $0x1400, s5;
	[tilespmem:$0x80] =	vst v5  }
0x95: {  	[hbm4b:s5+s2] =	stream.linear.scatter [tilespmem:s6], [sflag:$0x1], $0x80, $0x38;
	[tilespmem:$0x100] =	vst v63  }
0x96: {  	_ =	swait.ge [sflag:s3], $0x80  }
0x97: {  	s7 =	sadd.s32 $0xFFFFFFFF, s7;
	[sflag:s3] =	ssyncset.done $0x0  }
.LBB2_2:
0x98: {  	p0 =	sne.s32 s7, $0x1;
	s7 =	sadd.s32 $0xFFFFFFFF, s7;
	[sflag:s3] =	ssyncadd.s32 $0xFFFFFF80  }
0x99: {  	[tilespmem:s2], [sflag:$0x1] =	stream.linear.gather [hbm4b:s4+s2], $0x80, $0x38;
	[tilespmem:$0x100] =	vst v63  }
0x9a: {  	_ =	swait.ge [sflag:s3], $0x80  }
0x9b: {  	[sflag:s3] =	ssyncset.done $0x0  }
0x9c: {  	[sflag:s3] =	ssyncadd.s32 $0xFFFFFF80  }
0x9d: {  	v5 =	vld [tilespmem:$0x0];
	_ =	sdelay $0x4  }
0x9e: {  	v6 =	vperm.xlane v5, v0;
	_ =	sdelay $0x1  }
0x9f: {  	v6 =	vmax.f32 v5, v6  }
0xa0: {  	v7 =	vperm.xlane v6, v1;
	_ =	sdelay $0x1  }
0xa1: {  	v6 =	vmax.f32 v6, v7  }
0xa2: {  	v7 =	vperm.xlane v6, v2;
	_ =	sdelay $0x1  }
0xa3: {  	v6 =	vmax.f32 v6, v7  }
0xa4: {  	v7 =	vperm.xlane v6, v3;
	_ =	sdelay $0x1  }
0xa5: {  	v6 =	vmax.f32 v6, v7  }
0xa6: {  	vm0 =	veq.f32 v5, v6  }
0xa7: {  	v6 =	vnsel vm0, $0x10, v4  }
0xa8: {  	v7 =	vperm.xlane v6, v0;
	_ =	sdelay $0x1  }
0xa9: {  	vm0 =	vlt.s32 v6, v7  }
0xaa: {  	v6 =	vsel vm0, v6, v7  }
0xab: {  	v7 =	vperm.xlane v6, v1;
	_ =	sdelay $0x1  }
0xac: {  	vm0 =	vlt.s32 v6, v7  }
0xad: {  	v6 =	vsel vm0, v6, v7  }
0xae: {  	v7 =	vperm.xlane v6, v2;
	_ =	sdelay $0x1  }
0xaf: {  	vm0 =	vlt.s32 v6, v7  }
0xb0: {  	v6 =	vsel vm0, v6, v7  }
0xb1: {  	v7 =	vperm.xlane v6, v3;
	_ =	sdelay $0x1  }
0xb2: {  	vm0 =	vlt.s32 v6, v7  }
0xb3: {  	v6 =	vsel vm0, v6, v7  }
0xb4: {  	vm0 =	veq.s32 v6, v4  }
0xb5: {  	v6 =	vsel vm0, $0xF149F2CA, v5  }
0xb6: {  	v7 =	vperm.xlane v6, v0;
	_ =	sdelay $0x1  }
0xb7: {  	v7 =	vmax.f32 v6, v7  }
0xb8: {  	v8 =	vperm.xlane v7, v1;
	_ =	sdelay $0x1  }
0xb9: {  	v7 =	vmax.f32 v7, v8  }
0xba: {  	v8 =	vperm.xlane v7, v2;
	_ =	sdelay $0x1  }
0xbb: {  	v7 =	vmax.f32 v7, v8  }
0xbc: {  	v8 =	vperm.xlane v7, v3;
	_ =	sdelay $0x1  }
0xbd: {  	v7 =	vmax.f32 v7, v8  }
0xbe: {  	vm0 =	veq.f32 v6, v7  }
0xbf: {  	v7 =	vnsel vm0, $0x10, v4  }
0xc0: {  	v8 =	vperm.xlane v7, v0;
	_ =	sdelay $0x1  }
0xc1: {  	vm0 =	vlt.s32 v7, v8  }
0xc2: {  	v7 =	vsel vm0, v7, v8  }
0xc3: {  	v8 =	vperm.xlane v7, v1;
	_ =	sdelay $0x1  }
0xc4: {  	vm0 =	vlt.s32 v7, v8  }
0xc5: {  	v7 =	vsel vm0, v7, v8  }
0xc6: {  	v8 =	vperm.xlane v7, v2;
	_ =	sdelay $0x1  }
0xc7: {  	vm0 =	vlt.s32 v7, v8  }
0xc8: {  	v7 =	vsel vm0, v7, v8  }
0xc9: {  	v8 =	vperm.xlane v7, v3;
	_ =	sdelay $0x1  }
0xca: {  	vm0 =	vlt.s32 v7, v8  }
0xcb: {  	v7 =	vsel vm0, v7, v8  }
0xcc: {  	vm0 =	veq.s32 v7, v4  }
0xcd: {  	v6 =	vsel vm0, $0xF149F2CA, v6  }
0xce: {  	v7 =	vperm.xlane v6, v0;
	_ =	sdelay $0x1  }
0xcf: {  	v7 =	vmax.f32 v6, v7  }
0xd0: {  	v8 =	vperm.xlane v7, v1;
	_ =	sdelay $0x1  }
0xd1: {  	v7 =	vmax.f32 v7, v8  }
0xd2: {  	v8 =	vperm.xlane v7, v2;
	_ =	sdelay $0x1  }
0xd3: {  	v7 =	vmax.f32 v7, v8  }
0xd4: {  	v8 =	vperm.xlane v7, v3;
	_ =	sdelay $0x1  }
0xd5: {  	v7 =	vmax.f32 v7, v8  }
0xd6: {  	vm0 =	veq.f32 v6, v7  }
0xd7: {  	v7 =	vnsel vm0, $0x10, v4  }
0xd8: {  	v8 =	vperm.xlane v7, v0;
	_ =	sdelay $0x1  }
0xd9: {  	vm0 =	vlt.s32 v7, v8  }
0xda: {  	v7 =	vsel vm0, v7, v8  }
0xdb: {  	v8 =	vperm.xlane v7, v1;
	_ =	sdelay $0x1  }
0xdc: {  	vm0 =	vlt.s32 v7, v8  }
0xdd: {  	v7 =	vsel vm0, v7, v8  }
0xde: {  	v8 =	vperm.xlane v7, v2;
	_ =	sdelay $0x1  }
0xdf: {  	vm0 =	vlt.s32 v7, v8  }
0xe0: {  	v7 =	vsel vm0, v7, v8  }
0xe1: {  	v8 =	vperm.xlane v7, v3;
	_ =	sdelay $0x1  }
0xe2: {  	vm0 =	vlt.s32 v7, v8  }
0xe3: {  	v7 =	vsel vm0, v7, v8  }
0xe4: {  	vm0 =	veq.s32 v7, v4  }
0xe5: {  	v6 =	vsel vm0, $0xF149F2CA, v6  }
0xe6: {  	v7 =	vperm.xlane v6, v0;
	_ =	sdelay $0x1  }
0xe7: {  	v7 =	vmax.f32 v6, v7  }
0xe8: {  	v8 =	vperm.xlane v7, v1;
	_ =	sdelay $0x1  }
0xe9: {  	v7 =	vmax.f32 v7, v8  }
0xea: {  	v8 =	vperm.xlane v7, v2;
	_ =	sdelay $0x1  }
0xeb: {  	v7 =	vmax.f32 v7, v8  }
0xec: {  	v8 =	vperm.xlane v7, v3;
	_ =	sdelay $0x1  }
0xed: {  	v7 =	vmax.f32 v7, v8  }
0xee: {  	vm0 =	veq.f32 v6, v7  }
0xef: {  	v7 =	vnsel vm0, $0x10, v4  }
0xf0: {  	v8 =	vperm.xlane v7, v0;
	_ =	sdelay $0x1  }
0xf1: {  	vm0 =	vlt.s32 v7, v8  }
0xf2: {  	v7 =	vsel vm0, v7, v8  }
0xf3: {  	v8 =	vperm.xlane v7, v1;
	_ =	sdelay $0x1  }
0xf4: {  	vm0 =	vlt.s32 v7, v8  }
0xf5: {  	v7 =	vsel vm0, v7, v8  }
0xf6: {  	v8 =	vperm.xlane v7, v2;
	_ =	sdelay $0x1  }
0xf7: {  	vm0 =	vlt.s32 v7, v8  }
0xf8: {  	v7 =	vsel vm0, v7, v8  }
0xf9: {  	v8 =	vperm.xlane v7, v3;
	_ =	sdelay $0x1  }
0xfa: {  	vm0 =	vlt.s32 v7, v8  }
0xfb: {  	v7 =	vsel vm0, v7, v8  }
0xfc: {  	vm1 =	vlt.f32 v6, $-1.000000020e+29;
	vm0 =	veq.s32 v7, v4  }
0xfd: {  	vm0 =	vmor vm0, vm1  }
0xfe: {  	v5 =	vnsel vm0, $0xF149F2CA, v5  }
0xff: {  	v6 =	vperm.xlane v5, v0;
	_ =	sdelay $0x1  }
0x100: {  	v6 =	vmax.f32 v5, v6  }
0x101: {  	v7 =	vperm.xlane v6, v1;
	_ =	sdelay $0x1  }
0x102: {  	v6 =	vmax.f32 v6, v7  }
0x103: {  	v7 =	vperm.xlane v6, v2;
	_ =	sdelay $0x1  }
0x104: {  	v6 =	vmax.f32 v6, v7  }
0x105: {  	v7 =	vperm.xlane v6, v3;
	_ =	sdelay $0x1  }
0x106: {  	v6 =	vmax.f32 v6, v7  }
0x107: {  	v5 =	vsub.f32 v5, v6;
	_ =	sdelay $0x1  }
0x108: {  	v5 =	vmul.f32 $1.442695020e+00, v5;
	_ =	sdelay $0x1  }
0x109: {  	(erf) = vpow2.f32 v5;
	_ =	sdelay $0x8  }
0x10a: {  	v5 =	vpop (erf)  }
0x10b: {  	v6 =	vperm.xlane v5, v0;
	_ =	sdelay $0x1  }
0x10c: {  	v6 =	vadd.f32 v5, v6;
	_ =	sdelay $0x1  }
0x10d: {  	v7 =	vperm.xlane v6, v1;
	_ =	sdelay $0x1  }
0x10e: {  	v6 =	vadd.f32 v6, v7;
	_ =	sdelay $0x1  }
0x10f: {  	v7 =	vperm.xlane v6, v2;
	_ =	sdelay $0x1  }
0x110: {  	v6 =	vadd.f32 v6, v7;
	_ =	sdelay $0x1  }
0x111: {  	v7 =	vperm.xlane v6, v3;
	_ =	sdelay $0x1  }
0x112: {  	v6 =	vadd.f32 v6, v7;
	_ =	sdelay $0x1  }
0x113: {  	(erf) = vrcp.f32 v6;
	_ =	sdelay $0x8  }
0x114: {  	v6 =	vpop (erf)  }
0x115: {  	v5 =	vmul.f32 v6, v5  }
.Ltmp2:
0x116: {  	(pc) =	sbr.rel @p0 .LBB2_2-.Ltmp2, $4  }
0x117: {  	[tilespmem:$0x80] =	vst v5  }
0x118: {  	[hbm4b:s5+s2] =	stream.linear.scatter [tilespmem:s6], [sflag:$0x1], $0x80, $0x38;
	[tilespmem:$0x100] =	vst v63  }
0x119: {  	_ =	swait.ge [sflag:s3], $0x80  }
0x11a: {  	[sflag:s3] =	ssyncset.done $0x0  }
.LBB2_3:
0x11b: {  	[sflag:s3] =	ssyncadd.s32 $0xFFFFFF80  }
.LBB2_4:
0x11c: {  	_ =	sfence.sel $0x180000  }
0x11d: {  	[bflag:$0x0] =	sbarrier.arrive $0xFFFF  }
0x11e: {  	p0 =	sne.s32 s1, $0x0;
	_ =	strace $0x90000047  }
0x11f: {  	s0 =	sadd.s32 @!p0 $0x100000, s0;
	[bflag:$0x2] =	sbarrier.arrive $0xFFFF  }
0x120: {  	[sflag:s0] =	ssyncadd.tile.s32 @!p0 $0x1;
	_ =	shalt  }
.Lfunc_end2:
_tile_overlayer_lowered:
.L_overlay_start_2:
0x121: {  	(tag) =	ssettag $0x2  }
0x122: {  	s0 =	rddreg [dreg:$0x0];
	s2 =	stileid.u32  }
0x123: {  	s1 =	rddreg [dreg:$0x1];
	p0 =	sne.s32 s2, $0x0  }
0x124: {  	s3 =	rddreg [dreg:$0x2];
	[bflag:$0x3] =	sbarrier.arrive $0xFFFF;
	s2 =	simm.s32 @!p0 $0x1C01  }
0x125: {  	[timem:s3], [sflag:s2] =	dma.local @!p0 [hbm:s0], s1  }
0x126: {  	s0 =	simm.s32 @!p0 $0x1  }
0x127: {  	_ =	swait.ge @!p0 [sflag:s0], s1  }
0x128: {  	s1 =	ssub.s32 @!p0 $0x0, s1;
	[sflag:s0] =	ssyncset.done @!p0 $0x0  }
0x129: {  	[sflag:s0] =	ssyncadd.s32 @!p0 s1  }
0x12a: {  	[bflag:$0x3] =	sbarrier.arrive $0xFFFF  }
0x12b: {  	_ =	shalt  }

</sc_bundles>
